<compile_context>
chip_gen: v7x
topology: tpu7x:2x2x1
jax: 0.10.2.dev20260603
libtpu: 0.0.44.dev20260713+nightly
codegen_flags: <defaults>
</compile_context>

<pallas_src>
import functools

import jax
import jax.numpy as jnp
from jax import lax
from jax.experimental import pallas as pl
from jax.experimental.pallas import tpu as pltpu
from jax.experimental.pallas import tpu_sc as plsc

GAMMA = 0.9
NACC = 9
LANES = 16


def _sc_partials(sn, sd, y, states, nc, ns):
    nw = nc * ns
    b = sn.shape[0]
    ch = b // nw
    assert ch * nw == b and ch % LANES == 0 and (ch % 8) == 0

    mesh = plsc.VectorSubcoreMesh(
        core_axis_name="c", subcore_axis_name="s",
        num_cores=nc, num_subcores=ns)

    @functools.partial(
        pl.kernel,
        mesh=mesh,
        out_type=jax.ShapeDtypeStruct((nw, NACC * LANES), jnp.float32),
        scratch_types=[
            pltpu.VMEM((ch,), jnp.float32),
            pltpu.VMEM((ch,), jnp.float32),
            pltpu.VMEM((ch,), jnp.int32),
            pltpu.VMEM((ch,), jnp.float32),
            pltpu.VMEM((ch,), jnp.float32),
            pltpu.VMEM((NACC * LANES,), jnp.float32),
            pltpu.SemaphoreType.DMA,
        ],
    )
    def body(sn_hbm, sd_hbm, y_hbm, st_hbm, out_hbm,
             sn_v, sd_v, y_v, snst_v, sdst_v, part_v, sem):
        wid = lax.axis_index("s") * nc + lax.axis_index("c")
        base = wid * ch
        sl_in = pl.ds(base, ch)
        copies = [
            pltpu.async_copy(sn_hbm.at[sl_in], sn_v, sem),
            pltpu.async_copy(sd_hbm.at[sl_in], sd_v, sem),
            pltpu.async_copy(y_hbm.at[sl_in], y_v, sem),
            pltpu.async_copy(st_hbm.at[sl_in], snst_v, sem),
            pltpu.async_copy(st_hbm.at[pl.ds(b + base, ch)], sdst_v, sem),
        ]
        for c in copies:
            c.wait()

        zeros = jnp.zeros((LANES,), jnp.float32)
        unroll = 4

        def step(j, accs):
            acc = list(accs)
            for u in range(unroll):
                sl = pl.ds((j * unroll + u) * LANES, LANES)
                sn_t = sn_v[sl]
                sd_t = sd_v[sl]
                y_t = y_v[sl]
                snst = snst_v[sl]
                sdst = sdst_v[sl]
                vsn = (1.0 - GAMMA) * snst + GAMMA * sn_t
                vsd = jnp.maximum((1.0 - GAMMA) * sdst + GAMMA * sd_t, 1e-8)
                inv = 1.0 / vsd
                r = vsn * inv
                snd = 1.0 / (1.0 + jnp.exp(-r))
                gsnd = snd * (1.0 - snd)
                gw = gsnd * (sn_t - r * sd_t) * inv
                m_p = y_t.astype(jnp.float32)
                sg = snd * gw
                s2 = snd * snd
                acc = [acc[0] + m_p, acc[1] + gw * m_p, acc[2] + sg * m_p,
                       acc[3] + snd * m_p, acc[4] + s2 * m_p,
                       acc[5] + gw, acc[6] + sg, acc[7] + snd, acc[8] + s2]
            return tuple(acc)

        acc = lax.fori_loop(0, ch // (LANES * unroll), step,
                            tuple([zeros] * NACC))
        for k in range(NACC):
            part_v[pl.ds(k * LANES, LANES)] = acc[k]
        pltpu.sync_copy(part_v, out_hbm.at[wid])

    return body


def _combine_kernel(total_n, p_ref, a_ref, b_ref, alpha_ref, out_ref):
    s = [jnp.sum(p_ref[:, k * LANES:(k + 1) * LANES]) for k in range(NACC)]
    c_p, s_gp, s_sgp, s_sp, s_s2p, s_g, s_sg, s_s, s_s2 = s
    c_n = total_n - c_p
    s_gn = s_g - s_gp
    s_sgn = s_sg - s_sgp
    s_sn = s_s - s_sp
    s_s2n = s_s2 - s_s2p
    a = a_ref[0]
    b = b_ref[0]
    alpha = alpha_ref[0]
    cp = jnp.maximum(c_p, 1.0)
    cn = jnp.maximum(c_n, 1.0)
    gw_p = (2.0 * s_sgp - 2.0 * a * s_gp) / cp
    gw_n = (2.0 * s_sgn - 2.0 * b * s_gn) / cn
    gw_s = alpha * (s_gn / cn - s_gp / cp)
    ga = (s_s2p - 2.0 * a * s_sp + a * a * c_p) / cp
    gb = (s_s2n - 2.0 * b * s_sn + b * b * c_n) / cn
    out_ref[0] = gw_p + gw_n + gw_s + ga + gb


def kernel(sn, sd, y_true, index, sn_state, sd_state, a, b, alpha):
    b_sz = sn.reshape(-1).shape[0]
    info = plsc.get_sparse_core_info()
    nc, ns = info.num_cores, info.num_subcores
    nw = nc * ns

    sn_f = sn.reshape(-1)
    sd_f = sd.reshape(-1)
    y_f = y_true.reshape(-1)
    states = jnp.concatenate(
        [sn_state[:b_sz], sd_state[:b_sz]], axis=0).reshape(-1)
    partials = _sc_partials(sn_f, sd_f, y_f, states, nc, ns)(
        sn_f, sd_f, y_f, states)

    loss = pl.pallas_call(
        functools.partial(_combine_kernel, float(b_sz)),
        out_shape=jax.ShapeDtypeStruct((1,), jnp.float32),
        in_specs=[
            pl.BlockSpec(memory_space=pltpu.VMEM),
            pl.BlockSpec(memory_space=pltpu.SMEM),
            pl.BlockSpec(memory_space=pltpu.SMEM),
            pl.BlockSpec(memory_space=pltpu.SMEM),
        ],
        out_specs=pl.BlockSpec(memory_space=pltpu.SMEM),
    )(partials, a, b, alpha)
    return loss

# --- scband reference (transcript-rebuilt; emitter-appended) ---
"""Pipeline reference for scband-midam-attention-pooling-loss-549755813906 (READ-ONLY COPY).

The authoritative reference and input builder live on the scoring server;
editing this copy changes nothing except your own understanding.
"""

import jax, jax.numpy as jnp
import numpy as np

DATA_LEN = 1000000
B = 16384
GAMMA = 0.9


def _mmean(x, m):
    return jnp.sum(x * m) / jnp.maximum(jnp.sum(m), 1.0)


def setup_inputs(seed: int = 0):
    key = jax.random.key(seed)
    k1, k2, k3 = jax.random.split(key, 3)
    sn = jax.random.normal(k1, (B, 1), dtype=jnp.float32)
    sd = jax.random.uniform(k2, (B, 1), dtype=jnp.float32)
    y_true = jax.random.randint(k3, (B,), 0, 2, dtype=jnp.int32)
    index = jnp.arange(B, dtype=jnp.int32)
    sn_state = jnp.ones((DATA_LEN, 1), dtype=jnp.float32)
    sd_state = jnp.ones((DATA_LEN, 1), dtype=jnp.float32)
    a = jnp.zeros((1,), dtype=jnp.float32)
    b = jnp.zeros((1,), dtype=jnp.float32)
    alpha = jnp.zeros((1,), dtype=jnp.float32)
    return {"sn": sn, "sd": sd, "y_true": y_true, "index": index,
            "sn_state": sn_state, "sd_state": sd_state, "a": a, "b": b, "alpha": alpha}


def reference(sn, sd, y_true, index, sn_state, sd_state, a, b, alpha):
    sn = sn.reshape(-1, 1)
    sd = sd.reshape(-1, 1)
    y = y_true.reshape(-1, 1)
    idx = index.reshape(-1)
    # moving-average update of per-bag numerator/denominator state (detached, like torch buffers)
    sn_new = sn_state.at[idx].set((1.0 - GAMMA) * sn_state[idx] + GAMMA * jax.lax.stop_gradient(sn))
    sd_new = sd_state.at[idx].set((1.0 - GAMMA) * sd_state[idx] + GAMMA * jax.lax.stop_gradient(sd))
    vsn = sn_new[idx]
    vsd = jnp.maximum(sd_new[idx], 1e-08)
    snd = jax.nn.sigmoid(vsn / vsd)
    gsnd = snd * (1.0 - snd)
    mask_p = (y == 1).astype(jnp.float32)
    mask_n = (y == 0).astype(jnp.float32)
    gw_att = gsnd * (sn / vsd - vsn / vsd ** 2 * sd)
    a_d = jax.lax.stop_gradient(a)
    b_d = jax.lax.stop_gradient(b)
    alpha_d = jax.lax.stop_gradient(alpha)
    gw_p = _mmean(2.0 * (snd - a_d) * gw_att, mask_p)
    gw_n = _mmean(2.0 * (snd - b_d) * gw_att, mask_n)
    gw_s = alpha_d * (_mmean(gw_att, mask_n) - _mmean(gw_att, mask_p))
    ga = _mmean((snd - a) ** 2, mask_p)
    gb = _mmean((snd - b) ** 2, mask_n)
    loss = gw_p + gw_n + gw_s + ga + gb
    return loss

if __name__ == "__main__":
    import jax
    _d = setup_inputs()
    print(jax.jit(kernel)(*tuple(_d.values())))

</pallas_src>

<mosaic_0001>
#map = affine_map<(d0, d1) -> (0)>
#map1 = affine_map<(d0, d1) -> (0, 0)>
module attributes {stable_mosaic.version = 14 : i64} {
  func.func @body(%arg0: i32, %arg1: i32, %arg2: memref<16384xf32, #tpu.memory_space<hbm>>, %arg3: memref<16384xf32, #tpu.memory_space<hbm>>, %arg4: memref<16384xi32, #tpu.memory_space<hbm>>, %arg5: memref<32768xf32, #tpu.memory_space<hbm>>, %arg6: memref<32x144xf32, #tpu.memory_space<hbm>>, %arg7: memref<512xf32, #tpu.memory_space<vmem>>, %arg8: memref<512xf32, #tpu.memory_space<vmem>>, %arg9: memref<512xi32, #tpu.memory_space<vmem>>, %arg10: memref<512xf32, #tpu.memory_space<vmem>>, %arg11: memref<512xf32, #tpu.memory_space<vmem>>, %arg12: memref<144xf32, #tpu.memory_space<vmem>>, %arg13: memref<!tpu.dma_semaphore, #tpu.memory_space<semaphore_mem>>) attributes {dimension_semantics = [#tpu.dimension_semantics<core_parallel>, #tpu.dimension_semantics<subcore_parallel>], iteration_bounds = array<i64: 2, 16>, scalar_prefetch = 0 : i64, scratch_operands = 7 : i64, tpu.core_type = #tpu.core_type<sc_vector_subcore>, window_params = [{transform_indices = #map}, {transform_indices = #map}, {transform_indices = #map}, {transform_indices = #map}, {transform_indices = #map1}]} {
    %mul3A = arith.constant 2 : i32
    %mul3A_0 = arith.muli %arg1, %mul3A : i32
    %add3A = arith.addi %mul3A_0, %arg0 : i32
    %mul3A_1 = arith.constant 512 : i32
    %mul3A_2 = arith.muli %add3A, %mul3A_1 : i32
    %dma_start3A = tpu.memref_slice %arg2[%mul3A_2] : memref<16384xf32, #tpu.memory_space<hbm>> -> memref<512xf32, #tpu.memory_space<hbm>>
    %dma_start3A_3 = tpu.memref_slice %arg2[%mul3A_2] : memref<16384xf32, #tpu.memory_space<hbm>> -> memref<512xf32, #tpu.memory_space<hbm>>
    tpu.enqueue_dma source(%dma_start3A_3 : memref<512xf32, #tpu.memory_space<hbm>>) target(%arg7 : memref<512xf32, #tpu.memory_space<vmem>>) target_semaphore(%arg13 : memref<!tpu.dma_semaphore, #tpu.memory_space<semaphore_mem>>)
    %dma_start3A_4 = tpu.memref_slice %arg3[%mul3A_2] : memref<16384xf32, #tpu.memory_space<hbm>> -> memref<512xf32, #tpu.memory_space<hbm>>
    %dma_start3A_5 = tpu.memref_slice %arg3[%mul3A_2] : memref<16384xf32, #tpu.memory_space<hbm>> -> memref<512xf32, #tpu.memory_space<hbm>>
    tpu.enqueue_dma source(%dma_start3A_5 : memref<512xf32, #tpu.memory_space<hbm>>) target(%arg8 : memref<512xf32, #tpu.memory_space<vmem>>) target_semaphore(%arg13 : memref<!tpu.dma_semaphore, #tpu.memory_space<semaphore_mem>>)
    %dma_start3A_6 = tpu.memref_slice %arg4[%mul3A_2] : memref<16384xi32, #tpu.memory_space<hbm>> -> memref<512xi32, #tpu.memory_space<hbm>>
    %dma_start3A_7 = tpu.memref_slice %arg4[%mul3A_2] : memref<16384xi32, #tpu.memory_space<hbm>> -> memref<512xi32, #tpu.memory_space<hbm>>
    tpu.enqueue_dma source(%dma_start3A_7 : memref<512xi32, #tpu.memory_space<hbm>>) target(%arg9 : memref<512xi32, #tpu.memory_space<vmem>>) target_semaphore(%arg13 : memref<!tpu.dma_semaphore, #tpu.memory_space<semaphore_mem>>)
    %dma_start3A_8 = tpu.memref_slice %arg5[%mul3A_2] : memref<32768xf32, #tpu.memory_space<hbm>> -> memref<512xf32, #tpu.memory_space<hbm>>
    %dma_start3A_9 = tpu.memref_slice %arg5[%mul3A_2] : memref<32768xf32, #tpu.memory_space<hbm>> -> memref<512xf32, #tpu.memory_space<hbm>>
    tpu.enqueue_dma source(%dma_start3A_9 : memref<512xf32, #tpu.memory_space<hbm>>) target(%arg10 : memref<512xf32, #tpu.memory_space<vmem>>) target_semaphore(%arg13 : memref<!tpu.dma_semaphore, #tpu.memory_space<semaphore_mem>>)
    %add3A_10 = arith.constant 16384 : i32
    %add3A_11 = arith.addi %add3A_10, %mul3A_2 : i32
    %dma_start3A_12 = tpu.memref_slice %arg5[%add3A_11] : memref<32768xf32, #tpu.memory_space<hbm>> -> memref<512xf32, #tpu.memory_space<hbm>>
    %dma_start3A_13 = tpu.memref_slice %arg5[%add3A_11] : memref<32768xf32, #tpu.memory_space<hbm>> -> memref<512xf32, #tpu.memory_space<hbm>>
    tpu.enqueue_dma source(%dma_start3A_13 : memref<512xf32, #tpu.memory_space<hbm>>) target(%arg11 : memref<512xf32, #tpu.memory_space<vmem>>) target_semaphore(%arg13 : memref<!tpu.dma_semaphore, #tpu.memory_space<semaphore_mem>>)
    %dma_wait3A = tpu.memref_slice %arg2[%mul3A_2] : memref<16384xf32, #tpu.memory_space<hbm>> -> memref<512xf32, #tpu.memory_space<hbm>>
    %dma_wait3A_14 = tpu.memref_slice %arg2[%mul3A_2] : memref<16384xf32, #tpu.memory_space<hbm>> -> memref<512xf32, #tpu.memory_space<hbm>>
    tpu.wait_dma2 semaphore(%arg13 : memref<!tpu.dma_semaphore, #tpu.memory_space<semaphore_mem>>) src(%dma_wait3A_14 : memref<512xf32, #tpu.memory_space<hbm>>) dst(%arg7 : memref<512xf32, #tpu.memory_space<vmem>>)
    %dma_wait3A_15 = tpu.memref_slice %arg3[%mul3A_2] : memref<16384xf32, #tpu.memory_space<hbm>> -> memref<512xf32, #tpu.memory_space<hbm>>
    %dma_wait3A_16 = tpu.memref_slice %arg3[%mul3A_2] : memref<16384xf32, #tpu.memory_space<hbm>> -> memref<512xf32, #tpu.memory_space<hbm>>
    tpu.wait_dma2 semaphore(%arg13 : memref<!tpu.dma_semaphore, #tpu.memory_space<semaphore_mem>>) src(%dma_wait3A_16 : memref<512xf32, #tpu.memory_space<hbm>>) dst(%arg8 : memref<512xf32, #tpu.memory_space<vmem>>)
    %dma_wait3A_17 = tpu.memref_slice %arg4[%mul3A_2] : memref<16384xi32, #tpu.memory_space<hbm>> -> memref<512xi32, #tpu.memory_space<hbm>>
    %dma_wait3A_18 = tpu.memref_slice %arg4[%mul3A_2] : memref<16384xi32, #tpu.memory_space<hbm>> -> memref<512xi32, #tpu.memory_space<hbm>>
    tpu.wait_dma2 semaphore(%arg13 : memref<!tpu.dma_semaphore, #tpu.memory_space<semaphore_mem>>) src(%dma_wait3A_18 : memref<512xi32, #tpu.memory_space<hbm>>) dst(%arg9 : memref<512xi32, #tpu.memory_space<vmem>>)
    %dma_wait3A_19 = tpu.memref_slice %arg5[%mul3A_2] : memref<32768xf32, #tpu.memory_space<hbm>> -> memref<512xf32, #tpu.memory_space<hbm>>
    %dma_wait3A_20 = tpu.memref_slice %arg5[%mul3A_2] : memref<32768xf32, #tpu.memory_space<hbm>> -> memref<512xf32, #tpu.memory_space<hbm>>
    tpu.wait_dma2 semaphore(%arg13 : memref<!tpu.dma_semaphore, #tpu.memory_space<semaphore_mem>>) src(%dma_wait3A_20 : memref<512xf32, #tpu.memory_space<hbm>>) dst(%arg10 : memref<512xf32, #tpu.memory_space<vmem>>)
    %dma_wait3A_21 = tpu.memref_slice %arg5[%add3A_11] : memref<32768xf32, #tpu.memory_space<hbm>> -> memref<512xf32, #tpu.memory_space<hbm>>
    %dma_wait3A_22 = tpu.memref_slice %arg5[%add3A_11] : memref<32768xf32, #tpu.memory_space<hbm>> -> memref<512xf32, #tpu.memory_space<hbm>>
    tpu.wait_dma2 semaphore(%arg13 : memref<!tpu.dma_semaphore, #tpu.memory_space<semaphore_mem>>) src(%dma_wait3A_22 : memref<512xf32, #tpu.memory_space<hbm>>) dst(%arg11 : memref<512xf32, #tpu.memory_space<vmem>>)
    %broadcast_in_dim3A = arith.constant 0.000000e+00 : f32
    %broadcast_in_dim3A_23 = vector.broadcast %broadcast_in_dim3A : f32 to vector<16xf32>
    %scan3A = arith.constant 0 : i32
    %scan3A_24 = arith.constant 8 : i32
    %scan3A_25 = arith.addi %scan3A, %scan3A_24 : i32
    %scan3A_26 = arith.constant 1 : i32
    %scan3A_27:9 = scf.for %scan3A_64 = %scan3A to %scan3A_25 step %scan3A_26 iter_args(%scan3A_65 = %broadcast_in_dim3A_23, %scan3A_66 = %broadcast_in_dim3A_23, %scan3A_67 = %broadcast_in_dim3A_23, %scan3A_68 = %broadcast_in_dim3A_23, %scan3A_69 = %broadcast_in_dim3A_23, %scan3A_70 = %broadcast_in_dim3A_23, %scan3A_71 = %broadcast_in_dim3A_23, %scan3A_72 = %broadcast_in_dim3A_23, %scan3A_73 = %broadcast_in_dim3A_23) -> (vector<16xf32>, vector<16xf32>, vector<16xf32>, vector<16xf32>, vector<16xf32>, vector<16xf32>, vector<16xf32>, vector<16xf32>, vector<16xf32>)  : i32 {
      %mul3A_74 = arith.constant 4 : i32
      %mul3A_75 = arith.muli %scan3A_64, %mul3A_74 : i32
      %add3A_76 = arith.constant 0 : i32
      %add3A_77 = arith.addi %mul3A_75, %add3A_76 : i32
      %mul3A_78 = arith.constant 16 : i32
      %mul3A_79 = arith.muli %add3A_77, %mul3A_78 : i32
      %get3A = arith.index_cast %mul3A_79 : i32 to index
      %get3A_80 = tpu.vector_load %arg7[%get3A] {strides = array<i32>} : memref<512xf32, #tpu.memory_space<vmem>>, vector<16xf32>,
      %get3A_81 = vector.shape_cast %get3A_80 : vector<16xf32> to vector<16xf32>
      %get3A_82 = arith.index_cast %mul3A_79 : i32 to index
      %get3A_83 = tpu.vector_load %arg8[%get3A_82] {strides = array<i32>} : memref<512xf32, #tpu.memory_space<vmem>>, vector<16xf32>,
      %get3A_84 = vector.shape_cast %get3A_83 : vector<16xf32> to vector<16xf32>
      %get3A_85 = arith.index_cast %mul3A_79 : i32 to index
      %get3A_86 = tpu.vector_load %arg9[%get3A_85] {strides = array<i32>} : memref<512xi32, #tpu.memory_space<vmem>>, vector<16xi32>,
      %get3A_87 = vector.shape_cast %get3A_86 : vector<16xi32> to vector<16xi32>
      %get3A_88 = arith.index_cast %mul3A_79 : i32 to index
      %get3A_89 = tpu.vector_load %arg10[%get3A_88] {strides = array<i32>} : memref<512xf32, #tpu.memory_space<vmem>>, vector<16xf32>,
      %get3A_90 = vector.shape_cast %get3A_89 : vector<16xf32> to vector<16xf32>
      %get3A_91 = arith.index_cast %mul3A_79 : i32 to index
      %get3A_92 = tpu.vector_load %arg11[%get3A_91] {strides = array<i32>} : memref<512xf32, #tpu.memory_space<vmem>>, vector<16xf32>,
      %get3A_93 = vector.shape_cast %get3A_92 : vector<16xf32> to vector<16xf32>
      %mul3A_94 = arith.constant 1.000000e-01 : f32
      %mul3A_95 = vector.broadcast %mul3A_94 : f32 to vector<16xf32>
      %mul3A_96 = arith.mulf %mul3A_95, %get3A_90 : vector<16xf32>
      %mul3A_97 = arith.constant 0.899999976 : f32
      %mul3A_98 = vector.broadcast %mul3A_97 : f32 to vector<16xf32>
      %mul3A_99 = arith.mulf %mul3A_98, %get3A_81 : vector<16xf32>
      %add3A_100 = arith.addf %mul3A_96, %mul3A_99 : vector<16xf32>
      %mul3A_101 = arith.constant 1.000000e-01 : f32
      %mul3A_102 = vector.broadcast %mul3A_101 : f32 to vector<16xf32>
      %mul3A_103 = arith.mulf %mul3A_102, %get3A_93 : vector<16xf32>
      %mul3A_104 = arith.constant 0.899999976 : f32
      %mul3A_105 = vector.broadcast %mul3A_104 : f32 to vector<16xf32>
      %mul3A_106 = arith.mulf %mul3A_105, %get3A_84 : vector<16xf32>
      %add3A_107 = arith.addf %mul3A_103, %mul3A_106 : vector<16xf32>
      %max3A = arith.constant 9.99999993E-9 : f32
      %max3A_108 = vector.broadcast %max3A : f32 to vector<16xf32>
      %max3A_109 = arith.maximumf %add3A_107, %max3A_108 : vector<16xf32>
      %div3A = arith.constant 1.000000e+00 : f32
      %div3A_110 = vector.broadcast %div3A : f32 to vector<16xf32>
      %div3A_111 = arith.divf %div3A_110, %max3A_109 : vector<16xf32>
      %mul3A_112 = arith.mulf %add3A_100, %div3A_111 : vector<16xf32>
      %neg3A = arith.constant 0.000000e+00 : f32
      %neg3A_113 = vector.broadcast %neg3A : f32 to vector<16xf32>
      %neg3A_114 = arith.subf %neg3A_113, %mul3A_112 : vector<16xf32>
      %exp3A = math.exp %neg3A_114 : vector<16xf32>
      %add3A_115 = arith.constant 1.000000e+00 : f32
      %add3A_116 = vector.broadcast %add3A_115 : f32 to vector<16xf32>
      %add3A_117 = arith.addf %add3A_116, %exp3A : vector<16xf32>
      %div3A_118 = arith.constant 1.000000e+00 : f32
      %div3A_119 = vector.broadcast %div3A_118 : f32 to vector<16xf32>
      %div3A_120 = arith.divf %div3A_119, %add3A_117 : vector<16xf32>
      %sub3A = arith.constant 1.000000e+00 : f32
      %sub3A_121 = vector.broadcast %sub3A : f32 to vector<16xf32>
      %sub3A_122 = arith.subf %sub3A_121, %div3A_120 : vector<16xf32>
      %mul3A_123 = arith.mulf %div3A_120, %sub3A_122 : vector<16xf32>
      %mul3A_124 = arith.mulf %mul3A_112, %get3A_84 : vector<16xf32>
      %sub3A_125 = arith.subf %get3A_81, %mul3A_124 : vector<16xf32>
      %mul3A_126 = arith.mulf %mul3A_123, %sub3A_125 : vector<16xf32>
      %mul3A_127 = arith.mulf %mul3A_126, %div3A_111 : vector<16xf32>
      %convert_element_type3A = arith.sitofp %get3A_87 : vector<16xi32> to vector<16xf32>
      %mul3A_128 = arith.mulf %div3A_120, %mul3A_127 : vector<16xf32>
      %mul3A_129 = arith.mulf %div3A_120, %div3A_120 : vector<16xf32>
      %add3A_130 = arith.addf %scan3A_65, %convert_element_type3A : vector<16xf32>
      %mul3A_131 = arith.mulf %mul3A_127, %convert_element_type3A : vector<16xf32>
      %add3A_132 = arith.addf %scan3A_66, %mul3A_131 : vector<16xf32>
      %mul3A_133 = arith.mulf %mul3A_128, %convert_element_type3A : vector<16xf32>
      %add3A_134 = arith.addf %scan3A_67, %mul3A_133 : vector<16xf32>
      %mul3A_135 = arith.mulf %div3A_120, %convert_element_type3A : vector<16xf32>
      %add3A_136 = arith.addf %scan3A_68, %mul3A_135 : vector<16xf32>
      %mul3A_137 = arith.mulf %mul3A_129, %convert_element_type3A : vector<16xf32>
      %add3A_138 = arith.addf %scan3A_69, %mul3A_137 : vector<16xf32>
      %add3A_139 = arith.addf %scan3A_70, %mul3A_127 : vector<16xf32>
      %add3A_140 = arith.addf %scan3A_71, %mul3A_128 : vector<16xf32>
      %add3A_141 = arith.addf %scan3A_72, %div3A_120 : vector<16xf32>
      %add3A_142 = arith.addf %scan3A_73, %mul3A_129 : vector<16xf32>
      %mul3A_143 = arith.constant 4 : i32
      %mul3A_144 = arith.muli %scan3A_64, %mul3A_143 : i32
      %add3A_145 = arith.constant 1 : i32
      %add3A_146 = arith.addi %mul3A_144, %add3A_145 : i32
      %mul3A_147 = arith.constant 16 : i32
      %mul3A_148 = arith.muli %add3A_146, %mul3A_147 : i32
      %get3A_149 = arith.index_cast %mul3A_148 : i32 to index
      %get3A_150 = tpu.vector_load %arg7[%get3A_149] {strides = array<i32>} : memref<512xf32, #tpu.memory_space<vmem>>, vector<16xf32>,
      %get3A_151 = vector.shape_cast %get3A_150 : vector<16xf32> to vector<16xf32>
      %get3A_152 = arith.index_cast %mul3A_148 : i32 to index
      %get3A_153 = tpu.vector_load %arg8[%get3A_152] {strides = array<i32>} : memref<512xf32, #tpu.memory_space<vmem>>, vector<16xf32>,
      %get3A_154 = vector.shape_cast %get3A_153 : vector<16xf32> to vector<16xf32>
      %get3A_155 = arith.index_cast %mul3A_148 : i32 to index
      %get3A_156 = tpu.vector_load %arg9[%get3A_155] {strides = array<i32>} : memref<512xi32, #tpu.memory_space<vmem>>, vector<16xi32>,
      %get3A_157 = vector.shape_cast %get3A_156 : vector<16xi32> to vector<16xi32>
      %get3A_158 = arith.index_cast %mul3A_148 : i32 to index
      %get3A_159 = tpu.vector_load %arg10[%get3A_158] {strides = array<i32>} : memref<512xf32, #tpu.memory_space<vmem>>, vector<16xf32>,
      %get3A_160 = vector.shape_cast %get3A_159 : vector<16xf32> to vector<16xf32>
      %get3A_161 = arith.index_cast %mul3A_148 : i32 to index
      %get3A_162 = tpu.vector_load %arg11[%get3A_161] {strides = array<i32>} : memref<512xf32, #tpu.memory_space<vmem>>, vector<16xf32>,
      %get3A_163 = vector.shape_cast %get3A_162 : vector<16xf32> to vector<16xf32>
      %mul3A_164 = arith.constant 1.000000e-01 : f32
      %mul3A_165 = vector.broadcast %mul3A_164 : f32 to vector<16xf32>
      %mul3A_166 = arith.mulf %mul3A_165, %get3A_160 : vector<16xf32>
      %mul3A_167 = arith.constant 0.899999976 : f32
      %mul3A_168 = vector.broadcast %mul3A_167 : f32 to vector<16xf32>
      %mul3A_169 = arith.mulf %mul3A_168, %get3A_151 : vector<16xf32>
      %add3A_170 = arith.addf %mul3A_166, %mul3A_169 : vector<16xf32>
      %mul3A_171 = arith.constant 1.000000e-01 : f32
      %mul3A_172 = vector.broadcast %mul3A_171 : f32 to vector<16xf32>
      %mul3A_173 = arith.mulf %mul3A_172, %get3A_163 : vector<16xf32>
      %mul3A_174 = arith.constant 0.899999976 : f32
      %mul3A_175 = vector.broadcast %mul3A_174 : f32 to vector<16xf32>
      %mul3A_176 = arith.mulf %mul3A_175, %get3A_154 : vector<16xf32>
      %add3A_177 = arith.addf %mul3A_173, %mul3A_176 : vector<16xf32>
      %max3A_178 = arith.constant 9.99999993E-9 : f32
      %max3A_179 = vector.broadcast %max3A_178 : f32 to vector<16xf32>
      %max3A_180 = arith.maximumf %add3A_177, %max3A_179 : vector<16xf32>
      %div3A_181 = arith.constant 1.000000e+00 : f32
      %div3A_182 = vector.broadcast %div3A_181 : f32 to vector<16xf32>
      %div3A_183 = arith.divf %div3A_182, %max3A_180 : vector<16xf32>
      %mul3A_184 = arith.mulf %add3A_170, %div3A_183 : vector<16xf32>
      %neg3A_185 = arith.constant 0.000000e+00 : f32
      %neg3A_186 = vector.broadcast %neg3A_185 : f32 to vector<16xf32>
      %neg3A_187 = arith.subf %neg3A_186, %mul3A_184 : vector<16xf32>
      %exp3A_188 = math.exp %neg3A_187 : vector<16xf32>
      %add3A_189 = arith.constant 1.000000e+00 : f32
      %add3A_190 = vector.broadcast %add3A_189 : f32 to vector<16xf32>
      %add3A_191 = arith.addf %add3A_190, %exp3A_188 : vector<16xf32>
      %div3A_192 = arith.constant 1.000000e+00 : f32
      %div3A_193 = vector.broadcast %div3A_192 : f32 to vector<16xf32>
      %div3A_194 = arith.divf %div3A_193, %add3A_191 : vector<16xf32>
      %sub3A_195 = arith.constant 1.000000e+00 : f32
      %sub3A_196 = vector.broadcast %sub3A_195 : f32 to vector<16xf32>
      %sub3A_197 = arith.subf %sub3A_196, %div3A_194 : vector<16xf32>
      %mul3A_198 = arith.mulf %div3A_194, %sub3A_197 : vector<16xf32>
      %mul3A_199 = arith.mulf %mul3A_184, %get3A_154 : vector<16xf32>
      %sub3A_200 = arith.subf %get3A_151, %mul3A_199 : vector<16xf32>
      %mul3A_201 = arith.mulf %mul3A_198, %sub3A_200 : vector<16xf32>
      %mul3A_202 = arith.mulf %mul3A_201, %div3A_183 : vector<16xf32>
      %convert_element_type3A_203 = arith.sitofp %get3A_157 : vector<16xi32> to vector<16xf32>
      %mul3A_204 = arith.mulf %div3A_194, %mul3A_202 : vector<16xf32>
      %mul3A_205 = arith.mulf %div3A_194, %div3A_194 : vector<16xf32>
      %add3A_206 = arith.addf %add3A_130, %convert_element_type3A_203 : vector<16xf32>
      %mul3A_207 = arith.mulf %mul3A_202, %convert_element_type3A_203 : vector<16xf32>
      %add3A_208 = arith.addf %add3A_132, %mul3A_207 : vector<16xf32>
      %mul3A_209 = arith.mulf %mul3A_204, %convert_element_type3A_203 : vector<16xf32>
      %add3A_210 = arith.addf %add3A_134, %mul3A_209 : vector<16xf32>
      %mul3A_211 = arith.mulf %div3A_194, %convert_element_type3A_203 : vector<16xf32>
      %add3A_212 = arith.addf %add3A_136, %mul3A_211 : vector<16xf32>
      %mul3A_213 = arith.mulf %mul3A_205, %convert_element_type3A_203 : vector<16xf32>
      %add3A_214 = arith.addf %add3A_138, %mul3A_213 : vector<16xf32>
      %add3A_215 = arith.addf %add3A_139, %mul3A_202 : vector<16xf32>
      %add3A_216 = arith.addf %add3A_140, %mul3A_204 : vector<16xf32>
      %add3A_217 = arith.addf %add3A_141, %div3A_194 : vector<16xf32>
      %add3A_218 = arith.addf %add3A_142, %mul3A_205 : vector<16xf32>
      %mul3A_219 = arith.constant 4 : i32
      %mul3A_220 = arith.muli %scan3A_64, %mul3A_219 : i32
      %add3A_221 = arith.constant 2 : i32
      %add3A_222 = arith.addi %mul3A_220, %add3A_221 : i32
      %mul3A_223 = arith.constant 16 : i32
      %mul3A_224 = arith.muli %add3A_222, %mul3A_223 : i32
      %get3A_225 = arith.index_cast %mul3A_224 : i32 to index
      %get3A_226 = tpu.vector_load %arg7[%get3A_225] {strides = array<i32>} : memref<512xf32, #tpu.memory_space<vmem>>, vector<16xf32>,
      %get3A_227 = vector.shape_cast %get3A_226 : vector<16xf32> to vector<16xf32>
      %get3A_228 = arith.index_cast %mul3A_224 : i32 to index
      %get3A_229 = tpu.vector_load %arg8[%get3A_228] {strides = array<i32>} : memref<512xf32, #tpu.memory_space<vmem>>, vector<16xf32>,
      %get3A_230 = vector.shape_cast %get3A_229 : vector<16xf32> to vector<16xf32>
      %get3A_231 = arith.index_cast %mul3A_224 : i32 to index
      %get3A_232 = tpu.vector_load %arg9[%get3A_231] {strides = array<i32>} : memref<512xi32, #tpu.memory_space<vmem>>, vector<16xi32>,
      %get3A_233 = vector.shape_cast %get3A_232 : vector<16xi32> to vector<16xi32>
      %get3A_234 = arith.index_cast %mul3A_224 : i32 to index
      %get3A_235 = tpu.vector_load %arg10[%get3A_234] {strides = array<i32>} : memref<512xf32, #tpu.memory_space<vmem>>, vector<16xf32>,
      %get3A_236 = vector.shape_cast %get3A_235 : vector<16xf32> to vector<16xf32>
      %get3A_237 = arith.index_cast %mul3A_224 : i32 to index
      %get3A_238 = tpu.vector_load %arg11[%get3A_237] {strides = array<i32>} : memref<512xf32, #tpu.memory_space<vmem>>, vector<16xf32>,
      %get3A_239 = vector.shape_cast %get3A_238 : vector<16xf32> to vector<16xf32>
      %mul3A_240 = arith.constant 1.000000e-01 : f32
      %mul3A_241 = vector.broadcast %mul3A_240 : f32 to vector<16xf32>
      %mul3A_242 = arith.mulf %mul3A_241, %get3A_236 : vector<16xf32>
      %mul3A_243 = arith.constant 0.899999976 : f32
      %mul3A_244 = vector.broadcast %mul3A_243 : f32 to vector<16xf32>
      %mul3A_245 = arith.mulf %mul3A_244, %get3A_227 : vector<16xf32>
      %add3A_246 = arith.addf %mul3A_242, %mul3A_245 : vector<16xf32>
      %mul3A_247 = arith.constant 1.000000e-01 : f32
      %mul3A_248 = vector.broadcast %mul3A_247 : f32 to vector<16xf32>
      %mul3A_249 = arith.mulf %mul3A_248, %get3A_239 : vector<16xf32>
      %mul3A_250 = arith.constant 0.899999976 : f32
      %mul3A_251 = vector.broadcast %mul3A_250 : f32 to vector<16xf32>
      %mul3A_252 = arith.mulf %mul3A_251, %get3A_230 : vector<16xf32>
      %add3A_253 = arith.addf %mul3A_249, %mul3A_252 : vector<16xf32>
      %max3A_254 = arith.constant 9.99999993E-9 : f32
      %max3A_255 = vector.broadcast %max3A_254 : f32 to vector<16xf32>
      %max3A_256 = arith.maximumf %add3A_253, %max3A_255 : vector<16xf32>
      %div3A_257 = arith.constant 1.000000e+00 : f32
      %div3A_258 = vector.broadcast %div3A_257 : f32 to vector<16xf32>
      %div3A_259 = arith.divf %div3A_258, %max3A_256 : vector<16xf32>
      %mul3A_260 = arith.mulf %add3A_246, %div3A_259 : vector<16xf32>
      %neg3A_261 = arith.constant 0.000000e+00 : f32
      %neg3A_262 = vector.broadcast %neg3A_261 : f32 to vector<16xf32>
      %neg3A_263 = arith.subf %neg3A_262, %mul3A_260 : vector<16xf32>
      %exp3A_264 = math.exp %neg3A_263 : vector<16xf32>
      %add3A_265 = arith.constant 1.000000e+00 : f32
      %add3A_266 = vector.broadcast %add3A_265 : f32 to vector<16xf32>
      %add3A_267 = arith.addf %add3A_266, %exp3A_264 : vector<16xf32>
      %div3A_268 = arith.constant 1.000000e+00 : f32
      %div3A_269 = vector.broadcast %div3A_268 : f32 to vector<16xf32>
      %div3A_270 = arith.divf %div3A_269, %add3A_267 : vector<16xf32>
      %sub3A_271 = arith.constant 1.000000e+00 : f32
      %sub3A_272 = vector.broadcast %sub3A_271 : f32 to vector<16xf32>
      %sub3A_273 = arith.subf %sub3A_272, %div3A_270 : vector<16xf32>
      %mul3A_274 = arith.mulf %div3A_270, %sub3A_273 : vector<16xf32>
      %mul3A_275 = arith.mulf %mul3A_260, %get3A_230 : vector<16xf32>
      %sub3A_276 = arith.subf %get3A_227, %mul3A_275 : vector<16xf32>
      %mul3A_277 = arith.mulf %mul3A_274, %sub3A_276 : vector<16xf32>
      %mul3A_278 = arith.mulf %mul3A_277, %div3A_259 : vector<16xf32>
      %convert_element_type3A_279 = arith.sitofp %get3A_233 : vector<16xi32> to vector<16xf32>
      %mul3A_280 = arith.mulf %div3A_270, %mul3A_278 : vector<16xf32>
      %mul3A_281 = arith.mulf %div3A_270, %div3A_270 : vector<16xf32>
      %add3A_282 = arith.addf %add3A_206, %convert_element_type3A_279 : vector<16xf32>
      %mul3A_283 = arith.mulf %mul3A_278, %convert_element_type3A_279 : vector<16xf32>
      %add3A_284 = arith.addf %add3A_208, %mul3A_283 : vector<16xf32>
      %mul3A_285 = arith.mulf %mul3A_280, %convert_element_type3A_279 : vector<16xf32>
      %add3A_286 = arith.addf %add3A_210, %mul3A_285 : vector<16xf32>
      %mul3A_287 = arith.mulf %div3A_270, %convert_element_type3A_279 : vector<16xf32>
      %add3A_288 = arith.addf %add3A_212, %mul3A_287 : vector<16xf32>
      %mul3A_289 = arith.mulf %mul3A_281, %convert_element_type3A_279 : vector<16xf32>
      %add3A_290 = arith.addf %add3A_214, %mul3A_289 : vector<16xf32>
      %add3A_291 = arith.addf %add3A_215, %mul3A_278 : vector<16xf32>
      %add3A_292 = arith.addf %add3A_216, %mul3A_280 : vector<16xf32>
      %add3A_293 = arith.addf %add3A_217, %div3A_270 : vector<16xf32>
      %add3A_294 = arith.addf %add3A_218, %mul3A_281 : vector<16xf32>
      %mul3A_295 = arith.constant 4 : i32
      %mul3A_296 = arith.muli %scan3A_64, %mul3A_295 : i32
      %add3A_297 = arith.constant 3 : i32
      %add3A_298 = arith.addi %mul3A_296, %add3A_297 : i32
      %mul3A_299 = arith.constant 16 : i32
      %mul3A_300 = arith.muli %add3A_298, %mul3A_299 : i32
      %get3A_301 = arith.index_cast %mul3A_300 : i32 to index
      %get3A_302 = tpu.vector_load %arg7[%get3A_301] {strides = array<i32>} : memref<512xf32, #tpu.memory_space<vmem>>, vector<16xf32>,
      %get3A_303 = vector.shape_cast %get3A_302 : vector<16xf32> to vector<16xf32>
      %get3A_304 = arith.index_cast %mul3A_300 : i32 to index
      %get3A_305 = tpu.vector_load %arg8[%get3A_304] {strides = array<i32>} : memref<512xf32, #tpu.memory_space<vmem>>, vector<16xf32>,
      %get3A_306 = vector.shape_cast %get3A_305 : vector<16xf32> to vector<16xf32>
      %get3A_307 = arith.index_cast %mul3A_300 : i32 to index
      %get3A_308 = tpu.vector_load %arg9[%get3A_307] {strides = array<i32>} : memref<512xi32, #tpu.memory_space<vmem>>, vector<16xi32>,
      %get3A_309 = vector.shape_cast %get3A_308 : vector<16xi32> to vector<16xi32>
      %get3A_310 = arith.index_cast %mul3A_300 : i32 to index
      %get3A_311 = tpu.vector_load %arg10[%get3A_310] {strides = array<i32>} : memref<512xf32, #tpu.memory_space<vmem>>, vector<16xf32>,
      %get3A_312 = vector.shape_cast %get3A_311 : vector<16xf32> to vector<16xf32>
      %get3A_313 = arith.index_cast %mul3A_300 : i32 to index
      %get3A_314 = tpu.vector_load %arg11[%get3A_313] {strides = array<i32>} : memref<512xf32, #tpu.memory_space<vmem>>, vector<16xf32>,
      %get3A_315 = vector.shape_cast %get3A_314 : vector<16xf32> to vector<16xf32>
      %mul3A_316 = arith.constant 1.000000e-01 : f32
      %mul3A_317 = vector.broadcast %mul3A_316 : f32 to vector<16xf32>
      %mul3A_318 = arith.mulf %mul3A_317, %get3A_312 : vector<16xf32>
      %mul3A_319 = arith.constant 0.899999976 : f32
      %mul3A_320 = vector.broadcast %mul3A_319 : f32 to vector<16xf32>
      %mul3A_321 = arith.mulf %mul3A_320, %get3A_303 : vector<16xf32>
      %add3A_322 = arith.addf %mul3A_318, %mul3A_321 : vector<16xf32>
      %mul3A_323 = arith.constant 1.000000e-01 : f32
      %mul3A_324 = vector.broadcast %mul3A_323 : f32 to vector<16xf32>
      %mul3A_325 = arith.mulf %mul3A_324, %get3A_315 : vector<16xf32>
      %mul3A_326 = arith.constant 0.899999976 : f32
      %mul3A_327 = vector.broadcast %mul3A_326 : f32 to vector<16xf32>
      %mul3A_328 = arith.mulf %mul3A_327, %get3A_306 : vector<16xf32>
      %add3A_329 = arith.addf %mul3A_325, %mul3A_328 : vector<16xf32>
      %max3A_330 = arith.constant 9.99999993E-9 : f32
      %max3A_331 = vector.broadcast %max3A_330 : f32 to vector<16xf32>
      %max3A_332 = arith.maximumf %add3A_329, %max3A_331 : vector<16xf32>
      %div3A_333 = arith.constant 1.000000e+00 : f32
      %div3A_334 = vector.broadcast %div3A_333 : f32 to vector<16xf32>
      %div3A_335 = arith.divf %div3A_334, %max3A_332 : vector<16xf32>
      %mul3A_336 = arith.mulf %add3A_322, %div3A_335 : vector<16xf32>
      %neg3A_337 = arith.constant 0.000000e+00 : f32
      %neg3A_338 = vector.broadcast %neg3A_337 : f32 to vector<16xf32>
      %neg3A_339 = arith.subf %neg3A_338, %mul3A_336 : vector<16xf32>
      %exp3A_340 = math.exp %neg3A_339 : vector<16xf32>
      %add3A_341 = arith.constant 1.000000e+00 : f32
      %add3A_342 = vector.broadcast %add3A_341 : f32 to vector<16xf32>
      %add3A_343 = arith.addf %add3A_342, %exp3A_340 : vector<16xf32>
      %div3A_344 = arith.constant 1.000000e+00 : f32
      %div3A_345 = vector.broadcast %div3A_344 : f32 to vector<16xf32>
      %div3A_346 = arith.divf %div3A_345, %add3A_343 : vector<16xf32>
      %sub3A_347 = arith.constant 1.000000e+00 : f32
      %sub3A_348 = vector.broadcast %sub3A_347 : f32 to vector<16xf32>
      %sub3A_349 = arith.subf %sub3A_348, %div3A_346 : vector<16xf32>
      %mul3A_350 = arith.mulf %div3A_346, %sub3A_349 : vector<16xf32>
      %mul3A_351 = arith.mulf %mul3A_336, %get3A_306 : vector<16xf32>
      %sub3A_352 = arith.subf %get3A_303, %mul3A_351 : vector<16xf32>
      %mul3A_353 = arith.mulf %mul3A_350, %sub3A_352 : vector<16xf32>
      %mul3A_354 = arith.mulf %mul3A_353, %div3A_335 : vector<16xf32>
      %convert_element_type3A_355 = arith.sitofp %get3A_309 : vector<16xi32> to vector<16xf32>
      %mul3A_356 = arith.mulf %div3A_346, %mul3A_354 : vector<16xf32>
      %mul3A_357 = arith.mulf %div3A_346, %div3A_346 : vector<16xf32>
      %add3A_358 = arith.addf %add3A_282, %convert_element_type3A_355 : vector<16xf32>
      %mul3A_359 = arith.mulf %mul3A_354, %convert_element_type3A_355 : vector<16xf32>
      %add3A_360 = arith.addf %add3A_284, %mul3A_359 : vector<16xf32>
      %mul3A_361 = arith.mulf %mul3A_356, %convert_element_type3A_355 : vector<16xf32>
      %add3A_362 = arith.addf %add3A_286, %mul3A_361 : vector<16xf32>
      %mul3A_363 = arith.mulf %div3A_346, %convert_element_type3A_355 : vector<16xf32>
      %add3A_364 = arith.addf %add3A_288, %mul3A_363 : vector<16xf32>
      %mul3A_365 = arith.mulf %mul3A_357, %convert_element_type3A_355 : vector<16xf32>
      %add3A_366 = arith.addf %add3A_290, %mul3A_365 : vector<16xf32>
      %add3A_367 = arith.addf %add3A_291, %mul3A_354 : vector<16xf32>
      %add3A_368 = arith.addf %add3A_292, %mul3A_356 : vector<16xf32>
      %add3A_369 = arith.addf %add3A_293, %div3A_346 : vector<16xf32>
      %add3A_370 = arith.addf %add3A_294, %mul3A_357 : vector<16xf32>
      scf.yield %add3A_358, %add3A_360, %add3A_362, %add3A_364, %add3A_366, %add3A_367, %add3A_368, %add3A_369, %add3A_370 : vector<16xf32>, vector<16xf32>, vector<16xf32>, vector<16xf32>, vector<16xf32>, vector<16xf32>, vector<16xf32>, vector<16xf32>, vector<16xf32>
    }
    %scan3A_28 = arith.constant 8 : i32
    %swap3A = arith.constant 0 : index
    %swap3A_29 = tpu.vector_load %arg12[%swap3A] {strides = array<i32>} : memref<144xf32, #tpu.memory_space<vmem>>, vector<16xf32>,
    %swap3A_30 = vector.shape_cast %swap3A_29 : vector<16xf32> to vector<16xf32>
    %swap3A_31 = vector.shape_cast %scan3A_27#0 : vector<16xf32> to vector<16xf32>
    tpu.vector_store %arg12[%swap3A], %swap3A_31 {strides = array<i32>} : memref<144xf32, #tpu.memory_space<vmem>>, vector<16xf32>,
    %swap3A_32 = arith.constant 16 : index
    %swap3A_33 = tpu.vector_load %arg12[%swap3A_32] {strides = array<i32>} : memref<144xf32, #tpu.memory_space<vmem>>, vector<16xf32>,
    %swap3A_34 = vector.shape_cast %swap3A_33 : vector<16xf32> to vector<16xf32>
    %swap3A_35 = vector.shape_cast %scan3A_27#1 : vector<16xf32> to vector<16xf32>
    tpu.vector_store %arg12[%swap3A_32], %swap3A_35 {strides = array<i32>} : memref<144xf32, #tpu.memory_space<vmem>>, vector<16xf32>,
    %swap3A_36 = arith.constant 32 : index
    %swap3A_37 = tpu.vector_load %arg12[%swap3A_36] {strides = array<i32>} : memref<144xf32, #tpu.memory_space<vmem>>, vector<16xf32>,
    %swap3A_38 = vector.shape_cast %swap3A_37 : vector<16xf32> to vector<16xf32>
    %swap3A_39 = vector.shape_cast %scan3A_27#2 : vector<16xf32> to vector<16xf32>
    tpu.vector_store %arg12[%swap3A_36], %swap3A_39 {strides = array<i32>} : memref<144xf32, #tpu.memory_space<vmem>>, vector<16xf32>,
    %swap3A_40 = arith.constant 48 : index
    %swap3A_41 = tpu.vector_load %arg12[%swap3A_40] {strides = array<i32>} : memref<144xf32, #tpu.memory_space<vmem>>, vector<16xf32>,
    %swap3A_42 = vector.shape_cast %swap3A_41 : vector<16xf32> to vector<16xf32>
    %swap3A_43 = vector.shape_cast %scan3A_27#3 : vector<16xf32> to vector<16xf32>
    tpu.vector_store %arg12[%swap3A_40], %swap3A_43 {strides = array<i32>} : memref<144xf32, #tpu.memory_space<vmem>>, vector<16xf32>,
    %swap3A_44 = arith.constant 64 : index
    %swap3A_45 = tpu.vector_load %arg12[%swap3A_44] {strides = array<i32>} : memref<144xf32, #tpu.memory_space<vmem>>, vector<16xf32>,
    %swap3A_46 = vector.shape_cast %swap3A_45 : vector<16xf32> to vector<16xf32>
    %swap3A_47 = vector.shape_cast %scan3A_27#4 : vector<16xf32> to vector<16xf32>
    tpu.vector_store %arg12[%swap3A_44], %swap3A_47 {strides = array<i32>} : memref<144xf32, #tpu.memory_space<vmem>>, vector<16xf32>,
    %swap3A_48 = arith.constant 80 : index
    %swap3A_49 = tpu.vector_load %arg12[%swap3A_48] {strides = array<i32>} : memref<144xf32, #tpu.memory_space<vmem>>, vector<16xf32>,
    %swap3A_50 = vector.shape_cast %swap3A_49 : vector<16xf32> to vector<16xf32>
    %swap3A_51 = vector.shape_cast %scan3A_27#5 : vector<16xf32> to vector<16xf32>
    tpu.vector_store %arg12[%swap3A_48], %swap3A_51 {strides = array<i32>} : memref<144xf32, #tpu.memory_space<vmem>>, vector<16xf32>,
    %swap3A_52 = arith.constant 96 : index
    %swap3A_53 = tpu.vector_load %arg12[%swap3A_52] {strides = array<i32>} : memref<144xf32, #tpu.memory_space<vmem>>, vector<16xf32>,
    %swap3A_54 = vector.shape_cast %swap3A_53 : vector<16xf32> to vector<16xf32>
    %swap3A_55 = vector.shape_cast %scan3A_27#6 : vector<16xf32> to vector<16xf32>
    tpu.vector_store %arg12[%swap3A_52], %swap3A_55 {strides = array<i32>} : memref<144xf32, #tpu.memory_space<vmem>>, vector<16xf32>,
    %swap3A_56 = arith.constant 112 : index
    %swap3A_57 = tpu.vector_load %arg12[%swap3A_56] {strides = array<i32>} : memref<144xf32, #tpu.memory_space<vmem>>, vector<16xf32>,
    %swap3A_58 = vector.shape_cast %swap3A_57 : vector<16xf32> to vector<16xf32>
    %swap3A_59 = vector.shape_cast %scan3A_27#7 : vector<16xf32> to vector<16xf32>
    tpu.vector_store %arg12[%swap3A_56], %swap3A_59 {strides = array<i32>} : memref<144xf32, #tpu.memory_space<vmem>>, vector<16xf32>,
    %swap3A_60 = arith.constant 128 : index
    %swap3A_61 = tpu.vector_load %arg12[%swap3A_60] {strides = array<i32>} : memref<144xf32, #tpu.memory_space<vmem>>, vector<16xf32>,
    %swap3A_62 = vector.shape_cast %swap3A_61 : vector<16xf32> to vector<16xf32>
    %swap3A_63 = vector.shape_cast %scan3A_27#8 : vector<16xf32> to vector<16xf32>
    tpu.vector_store %arg12[%swap3A_60], %swap3A_63 {strides = array<i32>} : memref<144xf32, #tpu.memory_space<vmem>>, vector<16xf32>,
    "tpu.region"() ({
      %run_scoped3A = tpu.sem_alloc : memref<!tpu.dma_semaphore, #tpu.memory_space<semaphore_mem>>
      %dma_start3A_64 = arith.constant 0 : i32
      %dma_start3A_65 = tpu.memref_slice %arg6[%add3A, %dma_start3A_64] : memref<32x144xf32, #tpu.memory_space<hbm>> -> memref<1x144xf32, #tpu.memory_space<hbm>>
      %dma_start3A_66 = tpu.memref_squeeze %dma_start3A_65 : memref<1x144xf32, #tpu.memory_space<hbm>> -> memref<144xf32, #tpu.memory_space<hbm>>
      %dma_start3A_67 = arith.constant 0 : i32
      %dma_start3A_68 = tpu.memref_slice %arg6[%add3A, %dma_start3A_67] : memref<32x144xf32, #tpu.memory_space<hbm>> -> memref<1x144xf32, #tpu.memory_space<hbm>>
      %dma_start3A_69 = tpu.memref_squeeze %dma_start3A_68 : memref<1x144xf32, #tpu.memory_space<hbm>> -> memref<144xf32, #tpu.memory_space<hbm>>
      tpu.enqueue_dma source(%arg12 : memref<144xf32, #tpu.memory_space<vmem>>) target(%dma_start3A_69 : memref<144xf32, #tpu.memory_space<hbm>>) target_semaphore(%run_scoped3A : memref<!tpu.dma_semaphore, #tpu.memory_space<semaphore_mem>>)
      %dma_wait3A_70 = arith.constant 0 : i32
      %dma_wait3A_71 = tpu.memref_slice %arg6[%add3A, %dma_wait3A_70] : memref<32x144xf32, #tpu.memory_space<hbm>> -> memref<1x144xf32, #tpu.memory_space<hbm>>
      %dma_wait3A_72 = tpu.memref_squeeze %dma_wait3A_71 : memref<1x144xf32, #tpu.memory_space<hbm>> -> memref<144xf32, #tpu.memory_space<hbm>>
      %dma_wait3A_73 = arith.constant 0 : i32
      %dma_wait3A_74 = tpu.memref_slice %arg6[%add3A, %dma_wait3A_73] : memref<32x144xf32, #tpu.memory_space<hbm>> -> memref<1x144xf32, #tpu.memory_space<hbm>>
      %dma_wait3A_75 = tpu.memref_squeeze %dma_wait3A_74 : memref<1x144xf32, #tpu.memory_space<hbm>> -> memref<144xf32, #tpu.memory_space<hbm>>
      tpu.wait_dma2 semaphore(%run_scoped3A : memref<!tpu.dma_semaphore, #tpu.memory_space<semaphore_mem>>) src(%arg12 : memref<144xf32, #tpu.memory_space<vmem>>) dst(%dma_wait3A_75 : memref<144xf32, #tpu.memory_space<hbm>>)
      tpu.yield
    }) : () -> ()
    return
  }
}

module attributes {stable_mosaic.version = 14 : i64} {
  func.func @_combine_kernel(%arg0: memref<32x144xf32, #tpu.memory_space<vmem>>, %arg1: memref<1xf32, #tpu.memory_space<smem>>, %arg2: memref<1xf32, #tpu.memory_space<smem>>, %arg3: memref<1xf32, #tpu.memory_space<smem>>, %arg4: memref<1xf32, #tpu.memory_space<smem>>) attributes {dimension_semantics = [], scalar_prefetch = 0 : i64, scratch_operands = 0 : i64, tpu.core_type = #tpu.core_type<tc>} {
    %get3A = arith.constant 0 : index
    %get3A_0 = arith.constant 0 : index
    %get3A_1 = vector.load %arg0[%get3A, %get3A_0] : memref<32x144xf32, #tpu.memory_space<vmem>>, vector<32x16xf32>
    %reduce_sum3A = vector.shape_cast %get3A_1 : vector<32x16xf32> to vector<1x32x16xf32>
    %reduce_sum3A_2 = arith.constant dense<0.000000e+00> : vector<1xf32>
    %reduce_sum3A_3 = vector.multi_reduction <add>, %reduce_sum3A, %reduce_sum3A_2 [1, 2] : vector<1x32x16xf32> to vector<1xf32>
    %reduce_sum3A_4 = vector.shape_cast %reduce_sum3A_3 : vector<1xf32> to vector<1x1x1xf32>
    %reduce_sum3A_5 = vector.extract %reduce_sum3A_4[0, 0, 0] : f32 from vector<1x1x1xf32>
    %get3A_6 = arith.constant 0 : index
    %get3A_7 = arith.constant 16 : index
    %get3A_8 = vector.load %arg0[%get3A_6, %get3A_7] : memref<32x144xf32, #tpu.memory_space<vmem>>, vector<32x16xf32>
    %reduce_sum3A_9 = vector.shape_cast %get3A_8 : vector<32x16xf32> to vector<1x32x16xf32>
    %reduce_sum3A_10 = arith.constant dense<0.000000e+00> : vector<1xf32>
    %reduce_sum3A_11 = vector.multi_reduction <add>, %reduce_sum3A_9, %reduce_sum3A_10 [1, 2] : vector<1x32x16xf32> to vector<1xf32>
    %reduce_sum3A_12 = vector.shape_cast %reduce_sum3A_11 : vector<1xf32> to vector<1x1x1xf32>
    %reduce_sum3A_13 = vector.extract %reduce_sum3A_12[0, 0, 0] : f32 from vector<1x1x1xf32>
    %get3A_14 = arith.constant 0 : index
    %get3A_15 = arith.constant 32 : index
    %get3A_16 = vector.load %arg0[%get3A_14, %get3A_15] : memref<32x144xf32, #tpu.memory_space<vmem>>, vector<32x16xf32>
    %reduce_sum3A_17 = vector.shape_cast %get3A_16 : vector<32x16xf32> to vector<1x32x16xf32>
    %reduce_sum3A_18 = arith.constant dense<0.000000e+00> : vector<1xf32>
    %reduce_sum3A_19 = vector.multi_reduction <add>, %reduce_sum3A_17, %reduce_sum3A_18 [1, 2] : vector<1x32x16xf32> to vector<1xf32>
    %reduce_sum3A_20 = vector.shape_cast %reduce_sum3A_19 : vector<1xf32> to vector<1x1x1xf32>
    %reduce_sum3A_21 = vector.extract %reduce_sum3A_20[0, 0, 0] : f32 from vector<1x1x1xf32>
    %get3A_22 = arith.constant 0 : index
    %get3A_23 = arith.constant 48 : index
    %get3A_24 = vector.load %arg0[%get3A_22, %get3A_23] : memref<32x144xf32, #tpu.memory_space<vmem>>, vector<32x16xf32>
    %reduce_sum3A_25 = vector.shape_cast %get3A_24 : vector<32x16xf32> to vector<1x32x16xf32>
    %reduce_sum3A_26 = arith.constant dense<0.000000e+00> : vector<1xf32>
    %reduce_sum3A_27 = vector.multi_reduction <add>, %reduce_sum3A_25, %reduce_sum3A_26 [1, 2] : vector<1x32x16xf32> to vector<1xf32>
    %reduce_sum3A_28 = vector.shape_cast %reduce_sum3A_27 : vector<1xf32> to vector<1x1x1xf32>
    %reduce_sum3A_29 = vector.extract %reduce_sum3A_28[0, 0, 0] : f32 from vector<1x1x1xf32>
    %get3A_30 = arith.constant 0 : index
    %get3A_31 = arith.constant 64 : index
    %get3A_32 = vector.load %arg0[%get3A_30, %get3A_31] : memref<32x144xf32, #tpu.memory_space<vmem>>, vector<32x16xf32>
    %reduce_sum3A_33 = vector.shape_cast %get3A_32 : vector<32x16xf32> to vector<1x32x16xf32>
    %reduce_sum3A_34 = arith.constant dense<0.000000e+00> : vector<1xf32>
    %reduce_sum3A_35 = vector.multi_reduction <add>, %reduce_sum3A_33, %reduce_sum3A_34 [1, 2] : vector<1x32x16xf32> to vector<1xf32>
    %reduce_sum3A_36 = vector.shape_cast %reduce_sum3A_35 : vector<1xf32> to vector<1x1x1xf32>
    %reduce_sum3A_37 = vector.extract %reduce_sum3A_36[0, 0, 0] : f32 from vector<1x1x1xf32>
    %get3A_38 = arith.constant 0 : index
    %get3A_39 = arith.constant 80 : index
    %get3A_40 = vector.load %arg0[%get3A_38, %get3A_39] : memref<32x144xf32, #tpu.memory_space<vmem>>, vector<32x16xf32>
    %reduce_sum3A_41 = vector.shape_cast %get3A_40 : vector<32x16xf32> to vector<1x32x16xf32>
    %reduce_sum3A_42 = arith.constant dense<0.000000e+00> : vector<1xf32>
    %reduce_sum3A_43 = vector.multi_reduction <add>, %reduce_sum3A_41, %reduce_sum3A_42 [1, 2] : vector<1x32x16xf32> to vector<1xf32>
    %reduce_sum3A_44 = vector.shape_cast %reduce_sum3A_43 : vector<1xf32> to vector<1x1x1xf32>
    %reduce_sum3A_45 = vector.extract %reduce_sum3A_44[0, 0, 0] : f32 from vector<1x1x1xf32>
    %get3A_46 = arith.constant 0 : index
    %get3A_47 = arith.constant 96 : index
    %get3A_48 = vector.load %arg0[%get3A_46, %get3A_47] : memref<32x144xf32, #tpu.memory_space<vmem>>, vector<32x16xf32>
    %reduce_sum3A_49 = vector.shape_cast %get3A_48 : vector<32x16xf32> to vector<1x32x16xf32>
    %reduce_sum3A_50 = arith.constant dense<0.000000e+00> : vector<1xf32>
    %reduce_sum3A_51 = vector.multi_reduction <add>, %reduce_sum3A_49, %reduce_sum3A_50 [1, 2] : vector<1x32x16xf32> to vector<1xf32>
    %reduce_sum3A_52 = vector.shape_cast %reduce_sum3A_51 : vector<1xf32> to vector<1x1x1xf32>
    %reduce_sum3A_53 = vector.extract %reduce_sum3A_52[0, 0, 0] : f32 from vector<1x1x1xf32>
    %get3A_54 = arith.constant 0 : index
    %get3A_55 = arith.constant 112 : index
    %get3A_56 = vector.load %arg0[%get3A_54, %get3A_55] : memref<32x144xf32, #tpu.memory_space<vmem>>, vector<32x16xf32>
    %reduce_sum3A_57 = vector.shape_cast %get3A_56 : vector<32x16xf32> to vector<1x32x16xf32>
    %reduce_sum3A_58 = arith.constant dense<0.000000e+00> : vector<1xf32>
    %reduce_sum3A_59 = vector.multi_reduction <add>, %reduce_sum3A_57, %reduce_sum3A_58 [1, 2] : vector<1x32x16xf32> to vector<1xf32>
    %reduce_sum3A_60 = vector.shape_cast %reduce_sum3A_59 : vector<1xf32> to vector<1x1x1xf32>
    %reduce_sum3A_61 = vector.extract %reduce_sum3A_60[0, 0, 0] : f32 from vector<1x1x1xf32>
    %get3A_62 = arith.constant 0 : index
    %get3A_63 = arith.constant 128 : index
    %get3A_64 = vector.load %arg0[%get3A_62, %get3A_63] : memref<32x144xf32, #tpu.memory_space<vmem>>, vector<32x16xf32>
    %reduce_sum3A_65 = vector.shape_cast %get3A_64 : vector<32x16xf32> to vector<1x32x16xf32>
    %reduce_sum3A_66 = arith.constant dense<0.000000e+00> : vector<1xf32>
    %reduce_sum3A_67 = vector.multi_reduction <add>, %reduce_sum3A_65, %reduce_sum3A_66 [1, 2] : vector<1x32x16xf32> to vector<1xf32>
    %reduce_sum3A_68 = vector.shape_cast %reduce_sum3A_67 : vector<1xf32> to vector<1x1x1xf32>
    %reduce_sum3A_69 = vector.extract %reduce_sum3A_68[0, 0, 0] : f32 from vector<1x1x1xf32>
    %sub3A = arith.constant 1.638400e+04 : f32
    %sub3A_70 = arith.subf %sub3A, %reduce_sum3A_5 : f32
    %sub3A_71 = arith.subf %reduce_sum3A_45, %reduce_sum3A_13 : f32
    %sub3A_72 = arith.subf %reduce_sum3A_53, %reduce_sum3A_21 : f32
    %sub3A_73 = arith.subf %reduce_sum3A_61, %reduce_sum3A_29 : f32
    %sub3A_74 = arith.subf %reduce_sum3A_69, %reduce_sum3A_37 : f32
    %get3A_75 = arith.constant 0 : index
    %get3A_76 = memref.load %arg1[%get3A_75] : memref<1xf32, #tpu.memory_space<smem>>
    %get3A_77 = arith.constant 0 : index
    %get3A_78 = memref.load %arg2[%get3A_77] : memref<1xf32, #tpu.memory_space<smem>>
    %get3A_79 = arith.constant 0 : index
    %get3A_80 = memref.load %arg3[%get3A_79] : memref<1xf32, #tpu.memory_space<smem>>
    %max3A = arith.constant 1.000000e+00 : f32
    %max3A_81 = arith.maximumf %reduce_sum3A_5, %max3A : f32
    %max3A_82 = arith.constant 1.000000e+00 : f32
    %max3A_83 = arith.maximumf %sub3A_70, %max3A_82 : f32
    %mul3A = arith.constant 2.000000e+00 : f32
    %mul3A_84 = arith.mulf %mul3A, %reduce_sum3A_21 : f32
    %mul3A_85 = arith.constant 2.000000e+00 : f32
    %mul3A_86 = arith.mulf %mul3A_85, %get3A_76 : f32
    %mul3A_87 = arith.mulf %mul3A_86, %reduce_sum3A_13 : f32
    %sub3A_88 = arith.subf %mul3A_84, %mul3A_87 : f32
    %div3A = arith.divf %sub3A_88, %max3A_81 : f32
    %mul3A_89 = arith.constant 2.000000e+00 : f32
    %mul3A_90 = arith.mulf %mul3A_89, %sub3A_72 : f32
    %mul3A_91 = arith.constant 2.000000e+00 : f32
    %mul3A_92 = arith.mulf %mul3A_91, %get3A_78 : f32
    %mul3A_93 = arith.mulf %mul3A_92, %sub3A_71 : f32
    %sub3A_94 = arith.subf %mul3A_90, %mul3A_93 : f32
    %div3A_95 = arith.divf %sub3A_94, %max3A_83 : f32
    %div3A_96 = arith.divf %sub3A_71, %max3A_83 : f32
    %div3A_97 = arith.divf %reduce_sum3A_13, %max3A_81 : f32
    %sub3A_98 = arith.subf %div3A_96, %div3A_97 : f32
    %mul3A_99 = arith.mulf %get3A_80, %sub3A_98 : f32
    %mul3A_100 = arith.constant 2.000000e+00 : f32
    %mul3A_101 = arith.mulf %mul3A_100, %get3A_76 : f32
    %mul3A_102 = arith.mulf %mul3A_101, %reduce_sum3A_29 : f32
    %sub3A_103 = arith.subf %reduce_sum3A_37, %mul3A_102 : f32
    %mul3A_104 = arith.mulf %get3A_76, %get3A_76 : f32
    %mul3A_105 = arith.mulf %mul3A_104, %reduce_sum3A_5 : f32
    %add3A = arith.addf %sub3A_103, %mul3A_105 : f32
    %div3A_106 = arith.divf %add3A, %max3A_81 : f32
    %mul3A_107 = arith.constant 2.000000e+00 : f32
    %mul3A_108 = arith.mulf %mul3A_107, %get3A_78 : f32
    %mul3A_109 = arith.mulf %mul3A_108, %sub3A_73 : f32
    %sub3A_110 = arith.subf %sub3A_74, %mul3A_109 : f32
    %mul3A_111 = arith.mulf %get3A_78, %get3A_78 : f32
    %mul3A_112 = arith.mulf %mul3A_111, %sub3A_70 : f32
    %add3A_113 = arith.addf %sub3A_110, %mul3A_112 : f32
    %div3A_114 = arith.divf %add3A_113, %max3A_83 : f32
    %add3A_115 = arith.addf %div3A, %div3A_95 : f32
    %add3A_116 = arith.addf %add3A_115, %mul3A_99 : f32
    %add3A_117 = arith.addf %add3A_116, %div3A_106 : f32
    %add3A_118 = arith.addf %add3A_117, %div3A_114 : f32
    %swap3A = arith.constant 0 : index
    %swap3A_119 = memref.load %arg4[%swap3A] : memref<1xf32, #tpu.memory_space<smem>>
    memref.store %add3A_118, %arg4[%swap3A] : memref<1xf32, #tpu.memory_space<smem>>
    return
  }
}

</mosaic_0001>

<sc_bundles>
// kernel: kernel.4.cloned.1.call-start
scs
__scs_entry_jumppad:
0x0: {  	(pc) =	sbr.rel $0x88, $3  }
0x1: {  	(tag) =	ssettag $0x0;
	lr =	simm.s32 $0x1  }
0x2: {  	[smem:$0x3F99] =	sst lr;
	_ =	strace $0xD0000000  }
0x3: {  	_ = 	snop  }
0x4: {  	_ = 	snop  }
0x5: {  	_ = 	snop  }
0x6: {  	_ = 	snop  }
0x7: {  	_ = 	snop  }
__scs_overlays_trampoline_lowered:
0x8: {  	[smem:$0x3FA8] =	sst s0  }
0x9: {  	[smem:$0x3FA9] =	sst s1  }
0xa: {  	[smem:$0x3FAA] =	sst s2  }
0xb: {  	[smem:$0x3FAB] =	sst s3  }
0xc: {  	[smem:$0x3FAC] =	sst s4  }
0xd: {  	[smem:$0x3FAD] =	sst s5  }
0xe: {  	[smem:$0x3FAE] =	sst s6  }
0xf: {  	[smem:$0x3FAF] =	sst s7  }
0x10: {  	[smem:$0x3FB0] =	sst s8  }
0x11: {  	[smem:$0x3FB1] =	sst s9;
	s0 =	simm.s32 @!p0 $0x0  }
0x12: {  	s1 =	sld [smem:$0x3F97];
	s0 =	simm.s32 @p0 $0x1  }
0x13: {  	[smem:$0x3FB2] =	sst s0;
	s0 =	simm.s32 @!p1 $0x0  }
0x14: {  	s2 =	sld [smem:$0x3F96];
	s0 =	simm.s32 @p1 $0x1  }
0x15: {  	[smem:$0x3FB3] =	sst s0;
	s0 =	simm.s32 @!p2 $0x0  }
0x16: {  	s3 =	sld [smem:$0x3FDB];
	s0 =	simm.s32 @p2 $0x1  }
0x17: {  	s4 =	simm.s32 $0x1BF5;
	[smem:$0x3FB5] =	sst s0  }
0x18: {  	s0 =	sld [smem:$0x3F98];
	_ =	swait.ge [sflag:s4], $0x0  }
0x19: {  	s7 =	sld [smem:$0x3F99]  }
0x1a: {  	s8 =	sadd.s32 $0xFFFFE003, lr  }
0x1b: {  	s9 =	sadd.s32 $0xFFFFFEF7, lr;
	s5 =	simm.s32 $0xFFFFFFFF;
	p2 =	slt.u32 s8, $0xFFFFF086  }
0x1c: {  	p1 =	slt.u32 s9, $0xF7A;
	s5 =	simm.s32 @!p2 $0x0  }
0x1d: {  	s5 =	simm.s32 @p1 $0x1;
	p0 =	seq.s32 s7, s2  }
0x1e: {  	s7 =	smul.u32 @!p0 $0xF7A, s2;
	p2 =	seq.s32 @!p0 s5, $0x0  }
0x1f: {  	s9 =	smul.u32 $0xF7A, s1;
	s8 =	simm.s32 @!p0 $0x1BF5;
	p2 =	por !p2, p0  }
0x20: {  	[sflag:s8] =	ssyncset.s32 @!p0 $0xFFFFF086;
	s6 =	sadd.s32 @!p0 s3, s7;
	s7 =	simm.s32 @!p0 $0x108  }
0x21: {  	s3 =	sadd.s32 s3, s9;
	s6 =	sadd.s32 @!p0 $0x88, s6;
	s7 =	simm.s32 @p2 $0x1082  }
0x22: {  	[simem:s7], [sflag:s8] =	dma.local @!p0 [hbm:s6], $0xF7A  }
0x23: {  	s9 =	sor.u32 $0xD0000000, s2;
	s6 =	simm.s32 $0x108;
	_ =	swait.ge @!p0 [sflag:s8], $0x0  }
0x24: {  	s3 =	sadd.s32 $0x88, s3;
	s6 =	simm.s32 @!p1 $0x1082;
	[sflag:s4] =	ssyncset.s32 $0xFFFFF086  }
0x25: {  	[simem:s6], [sflag:s4] =	dma.local [hbm:s3], $0xF7A  }
0x26: {  	[smem:$0x3F99] =	sst s1;
	(tag) =	ssettag s2;
	_ =	strace s9  }
0x27: {  	s1 =	sld [smem:$0x3FA9]  }
0x28: {  	s2 =	sld [smem:$0x3FAA]  }
0x29: {  	s4 =	sld [smem:$0x3FAC]  }
0x2a: {  	p0 =	seq.s32 s5, $0x0;
	s5 =	sld [smem:$0x3FAD]  }
0x2b: {  	s6 =	sld [smem:$0x3FAE]  }
0x2c: {  	s7 =	sld [smem:$0x3FAF]  }
0x2d: {  	s3 =	simm.s32 $0x108;
	s8 =	sld [smem:$0x3FB0]  }
0x2e: {  	s3 =	simm.s32 @!p0 $0x1082;
	s9 =	sld [smem:$0x3FB1]  }
0x2f: {  	lr =	sadd.s32 s0, s3;
	s0 =	sld [smem:$0x3FA8]  }
0x30: {  	s3 =	sld [smem:$0x3FAB]  }
0x31: {  	[smem:$0x3FB4] =	sst s10  }
0x32: {  	s10 =	sld [smem:$0x3FB2];
	_ =	sdelay $0x3  }
0x33: {  	p0 =	seq.s32 s10, $0x1;
	s10 =	sld [smem:$0x3FB4];
	_ =	sdelay $0x3  }
0x34: {  	[smem:$0x3FB4] =	sst s10  }
0x35: {  	s10 =	sld [smem:$0x3FB3];
	_ =	sdelay $0x3  }
0x36: {  	p1 =	seq.s32 s10, $0x1;
	s10 =	sld [smem:$0x3FB4];
	_ =	sdelay $0x3  }
0x37: {  	[smem:$0x3FB4] =	sst s10  }
0x38: {  	s10 =	sld [smem:$0x3FB5]  }
0x39: {  	_ = 	snop;
	(pc) =	sbr.ind lr, $3  }
0x3a: {  	_ = 	snop  }
0x3b: {  	_ = 	snop  }
0x3c: {  	p2 =	seq.s32 s10, $0x1;
	s10 =	sld [smem:$0x3FB4]  }
0x3d: {  	_ =	shalt  }
0x3e: {  	_ =	shalt  }
0x3f: {  	_ =	shalt  }
0x40: {  	_ =	shalt  }
0x41: {  	_ =	shalt  }
0x42: {  	_ =	shalt  }
0x43: {  	_ =	shalt  }
0x44: {  	_ =	shalt  }
0x45: {  	_ =	shalt  }
0x46: {  	_ =	shalt  }
0x47: {  	_ =	shalt  }
0x48: {  	_ =	shalt  }
0x49: {  	_ =	shalt  }
0x4a: {  	_ =	shalt  }
0x4b: {  	_ =	shalt  }
0x4c: {  	_ =	shalt  }
0x4d: {  	_ =	shalt  }
0x4e: {  	_ =	shalt  }
0x4f: {  	_ =	shalt  }
0x50: {  	_ =	shalt  }
0x51: {  	_ =	shalt  }
0x52: {  	_ =	shalt  }
0x53: {  	_ =	shalt  }
0x54: {  	_ =	shalt  }
0x55: {  	_ =	shalt  }
0x56: {  	_ =	shalt  }
0x57: {  	_ =	shalt  }
0x58: {  	_ =	shalt  }
0x59: {  	_ =	shalt  }
0x5a: {  	_ =	shalt  }
0x5b: {  	_ =	shalt  }
0x5c: {  	_ =	shalt  }
0x5d: {  	_ =	shalt  }
0x5e: {  	_ =	shalt  }
0x5f: {  	_ =	shalt  }
0x60: {  	_ =	shalt  }
0x61: {  	_ =	shalt  }
0x62: {  	_ =	shalt  }
0x63: {  	_ =	shalt  }
0x64: {  	_ =	shalt  }
0x65: {  	_ =	shalt  }
0x66: {  	_ =	shalt  }
0x67: {  	_ =	shalt  }
0x68: {  	_ =	shalt  }
0x69: {  	_ =	shalt  }
0x6a: {  	_ =	shalt  }
0x6b: {  	_ =	shalt  }
0x6c: {  	_ =	shalt  }
0x6d: {  	_ =	shalt  }
0x6e: {  	_ =	shalt  }
0x6f: {  	_ =	shalt  }
0x70: {  	_ =	shalt  }
0x71: {  	_ =	shalt  }
0x72: {  	_ =	shalt  }
0x73: {  	_ =	shalt  }
0x74: {  	_ =	shalt  }
0x75: {  	_ =	shalt  }
0x76: {  	_ =	shalt  }
0x77: {  	_ =	shalt  }
0x78: {  	_ =	shalt  }
0x79: {  	_ =	shalt  }
0x7a: {  	_ =	shalt  }
0x7b: {  	_ =	shalt  }
0x7c: {  	_ =	shalt  }
0x7d: {  	_ =	shalt  }
0x7e: {  	_ =	shalt  }
0x7f: {  	_ =	shalt  }
0x80: {  	_ =	shalt  }
0x81: {  	_ =	shalt  }
0x82: {  	_ =	shalt  }
0x83: {  	_ =	shalt  }
0x84: {  	_ =	shalt  }
0x85: {  	_ =	shalt  }
0x86: {  	_ =	shalt  }
0x87: {  	_ =	shalt  }
.Lfunc_end0:
.L_simem_size_0:
called_computation_lowered:
.L_overlay_start_0:
0x88: {  	s2 =	sld [smem:$0x3FD9]  }
0x89: {  	s3 =	sld [smem:$0x3FFE];
	_ =	sdelay $0x1  }
0x8a: {  	s1 =	srdreg.scid  }
0x8b: {  	s0 =	sand.u32 $0x1, s1  }
0x8c: {  	s17 =	sshll.u32 s0, $0xA;
	s2 =	sadd.s32 s3, s2  }
0x8d: {  	s2 =	sadd.s32 s2, s17  }
0x8e: {  	[smem:$0x3FC0] =	sst s2  }
0x8f: {  	_ = 	snop  }
0x90: {  	s2 =	sld [smem:$0x3FC9]  }
0x91: {  	s18 =	sld [smem:$0x3FC8]  }
0x92: {  	s4 =	sld [smem:$0x3FC7];
	(tm) =	ssettm $0x1  }
0x93: {  	s5 =	sld [smem:$0x3FFB];
	_ =	sdelay $0x3  }
0x94: {  	_ =	strace s5  }
0x95: {  	s5 =	sld [smem:$0x3FFC];
	_ =	sdelay $0x3  }
0x96: {  	_ =	strace s5  }
0x97: {  	s5 =	sld [smem:$0x3FFD];
	_ =	sdelay $0x3  }
0x98: {  	_ =	strace s5  }
0x99: {  	_ =	strace $0x8FFFFFFF  }
0x9a: {  	s19 =	sld [smem:$0x3FDB];
	_ =	sdelay $0x1  }
0x9b: {  	s6 =	simm.s32 $_scs_section_size  }
0x9c: {  	s7 =	simm.s32 $_size__tile_overlayer_lowered;
	s8 =	simm.s32 $_tile_overlayer_lowered  }
0x9d: {  	s22 =	simm.s32 $0x1BFF;
	s21 =	sshll.u32 s8, $0x1;
	s5 =	sadd.s32 s6, s19  }
0x9e: {  	s9 =	simm.s32 $0x0;
	s20 =	sshll.u32 s7, $0x1;
	s7 =	sadd.s32 s21, s5  }
0x9f: {  	[timem:s9], [sflag:s22] =	dma.local [hbm:s7], s20  }
0xa0: {  	_ =	swait.ge [sflag:s22], s20  }
0xa1: {  	s6 =	ssub.s32 $0x0, s20;
	[sflag:s22] =	ssyncset.done $0x0  }
0xa2: {  	[sflag:s22] =	ssyncadd.s32 s6;
	_ =	sdelay $0x1  }
0xa3: {  	s23 =	simm.s32 $0x1B8B  }
0xa4: {  	_ =	swait.ge [sflag:s23], $0x1  }
0xa5: {  	[sflag:s23] =	ssyncset.done $0x0  }
0xa6: {  	s25 =	simm.s32 $0x1B8E;
	s24 =	sld [smem:$0x3FFE];
	[sflag:s23] =	ssyncadd.s32 $0xFFFFFFFF  }
0xa7: {  	s26 =	simm.s32 $execute0_lowered;
	[smem:$0x3FD2] =	sst s25  }
0xa8: {  	s7 =	sshll.u32 s26, $0x1;
	_ =	strace $0x80000046;
	[dreg:$0x1] =	wrdreg $0xFFFFFFFF  }
0xa9: {  	s28 =	simm.s32 $_size_execute0_lowered;
	s5 =	sadd.s32 s5, s7;
	[dreg:$0x0] =	wrdreg $0x0  }
0xaa: {  	s7 =	sshll.u32 s28, $0x1;
	[dreg:$0x2] =	wrdreg s5  }
0xab: {  	[dreg:$0x3] =	wrdreg s7  }
0xac: {  	[dreg:$0x4] =	wrdreg $0xC0  }
0xad: {  	_ =	task [dreg:s9], $0x5FFFF  }
0xae: {  	[dreg:$0x1] =	wrdreg $0xFFFFFFFF  }
0xaf: {  	[dreg:$0x0] =	wrdreg $0x60  }
0xb0: {  	[dreg:$0x2] =	wrdreg s2  }
0xb1: {  	[dreg:$0x3] =	wrdreg s18  }
0xb2: {  	[dreg:$0x4] =	wrdreg s4  }
0xb3: {  	[dreg:$0x5] =	wrdreg s24  }
0xb4: {  	[dreg:$0x6] =	wrdreg $0x9  }
0xb5: {  	_ =	task.clear_ibuf [dreg:s9], $0x7FFFF;
	_ =	strace $0x90000046  }
0xb6: {  	s29 =	simm.s32 $0x9;
	_ =	strace $0x80000048  }
0xb7: {  	_ =	swait.ge [sflag:s29], $0x1  }
0xb8: {  	[sflag:s29] =	ssyncadd.s32 $0xFFFFFFFF  }
0xb9: {  	_ =	strace $0x90000048  }
0xba: {  	_ =	sfence  }
0xbb: {  	s30 =	sld [smem:$0x0];
	_ =	sdelay $0x2  }
0xbc: {  	s31 =	sshll.u32 s1, $0xD;
	s1 =	sshrl.u32 s1, $0x2  }
0xbd: {  	s3 =	sand.u32 $0x4000, s31;
	s1 =	sadd.s32 s1, s30  }
0xbe: {  	s0 =	sor.u32 s3, s0;
	s1 =	sshll.u32 s1, $0x11  }
0xbf: {  	s0 =	sor.u32 s1, s0  }
0xc0: {  	s0 =	sadd.s32 $0x8F2B, s0  }
0xc1: {  	[sflag:s0] =	ssyncadd.remote.s32 $0x1  }
0xc2: {  	_ =	sfence.sel $0xFFFF  }
0xc3: {  	[dreg:$0x0] =	wrdreg $0xFFFFFFFF;
	(pc) =	sbr.abs _section_cstart, $3  }
0xc4: {  	[dreg:$0x1] =	wrdreg $0xFFFFFFFF  }
0xc5: {  	_ =	task.clear_ibuf [dreg:s9], $0x2FFFF;
	_ =	strace $0x9FFFFFFF  }
0xc6: {  	(tm) =	ssettm $0x7FFFFFFF  }
0xc7: {  	_ =	shalt  }
tec
execute0_lowered:
.L_overlay_start_1:
0x0: {  	(tag) =	ssettag $0x1  }
0x1: {  	s3 =	rddreg [dreg:$0x0]  }
0x2: {  	s4 =	rddreg [dreg:$0x1]  }
0x3: {  	s5 =	rddreg [dreg:$0x2]  }
0x4: {  	s6 =	rddreg [dreg:$0x3]  }
0x5: {  	s0 =	rddreg [dreg:$0x4];
	s2 =	simm.s32 $0x0;
	s7 =	srdreg.scid  }
0x6: {  	s1 =	stileid.u32;
	s13 =	simm.s32 $0x800;
	s14 =	simm.s32 $0x1  }
0x7: {  	s15 =	simm.s32 $0x80;
	s16 =	simm.s32 $0xA00;
	s17 =	simm.s32 $0x2  }
0x8: {  	s18 =	simm.s32 $0x0;
	[smem:$0x7FF] =	sst s2;
	s7 =	sand.u32 $0x1, s7  }
0x9: {  	s8 =	sshll.u32 s1, $0x1;
	s10 =	sshll.u32 s1, $0x6;
	_ =	strace $0x80000047  }
0xa: {  	s8 =	sor.u32 s7, s8;
	s7 =	ssub.s32 $0x2, s7;
	s10 =	sand.u32 $0x300, s10  }
0xb: {  	s9 =	sshll.u32 s8, $0x6;
	s12 =	sshrl.u32 s7, $0x1;
	s10 =	sadd.s32 s10, s6  }
0xc: {  	s29 =	sshll.u32 s8, $0x4;
	s11 =	sadd.s32 s9, s6;
	s12 =	ssub.s32 s7, s12  }
0xd: {  	s3 =	sadd.s32 s3, s9;
	s4 =	sadd.s32 s4, s9;
	s30 =	sand.u32 $0x70, s29  }
0xe: {  	s5 =	sadd.s32 s5, s9;
	s6 =	sadd.s32 $0x600, s11;
	s31 =	sadd.s32 s30, s10  }
0xf: {  	s7 =	sadd.s32 $0xE00, s11;
	s9 =	smax.u32 s12, $0x1;
	s10 =	simm.s32 $0x200  }
0x10: {  	s11 =	simm.s32 $0x400;
	s12 =	simm.s32 $0x600;
	s8 =	sadd.s32 $0x1600, s31  }
.LBB2_1:
0x11: {  	[tilespmem:s2], [sflag:$0x1] =	stream.linear.gather [hbm4b:s3+s2], $0x200, $0x38;
	[tilespmem:$0xB00] =	vst v63  }
0x12: {  	_ = 	snop  }
0x13: {  	[tilespmem:s10], [sflag:$0x1] =	stream.linear.gather [hbm4b:s4+s2], $0x200, $0x38;
	[tilespmem:$0xB00] =	vst v63  }
0x14: {  	_ = 	snop  }
0x15: {  	[tilespmem:s11], [sflag:$0x1] =	stream.linear.gather [hbm4b:s5+s2], $0x200, $0x38;
	[tilespmem:$0xB00] =	vst v63  }
0x16: {  	_ = 	snop  }
0x17: {  	[tilespmem:s12], [sflag:$0x1] =	stream.linear.gather [hbm4b:s6+s2], $0x200, $0x38;
	[tilespmem:$0xB00] =	vst v63  }
0x18: {  	_ = 	snop  }
0x19: {  	[tilespmem:s13], [sflag:$0x1] =	stream.linear.gather [hbm4b:s7+s2], $0x200, $0x38;
	[tilespmem:$0xB00] =	vst v63  }
0x1a: {  	_ =	swait.ge [sflag:s14], $0x200  }
0x1b: {  	[sflag:s14] =	ssyncset.done $0x0  }
0x1c: {  	[sflag:s14] =	ssyncadd.s32 $0xFFFFFE00  }
0x1d: {  	_ =	swait.ge [sflag:s14], $0x200  }
0x1e: {  	[sflag:s14] =	ssyncset.done $0x0  }
0x1f: {  	[sflag:s14] =	ssyncadd.s32 $0xFFFFFE00  }
0x20: {  	_ =	swait.ge [sflag:s14], $0x200  }
0x21: {  	[sflag:s14] =	ssyncset.done $0x0  }
0x22: {  	[sflag:s14] =	ssyncadd.s32 $0xFFFFFE00  }
0x23: {  	_ =	swait.ge [sflag:s14], $0x200  }
0x24: {  	[sflag:s14] =	ssyncset.done $0x0  }
0x25: {  	[sflag:s14] =	ssyncadd.s32 $0xFFFFFE00  }
0x26: {  	_ =	swait.ge [sflag:s14], $0x200  }
0x27: {  	[sflag:s14] =	ssyncset.done $0x0  }
0x28: {  	s20 =	simm.s32 $0x0;
	[sflag:s14] =	ssyncadd.s32 $0xFFFFFE00  }
0x29: {  	v1 =	vld [tilespmem:s20+$0x230]  }
0x2a: {  	v0 =	vld [tilespmem:s20+$0x830]  }
0x2b: {  	v2 =	vld [tilespmem:s20+$0x210]  }
0x2c: {  	v3 =	vld [tilespmem:s20+$0x200]  }
0x2d: {  	v4 =	vld [tilespmem:s20+$0x800]  }
0x2e: {  	v5 =	vld [tilespmem:s20+$0x820]  }
0x2f: {  	v8 =	vld [tilespmem:s20+$0x220];
	v6 =	vmul.f32 $8.999999760e-01, v1;
	v0 =	vmul.f32 $1.000000010e-01, v0  }
0x30: {  	v7 =	vld [tilespmem:s20+$0x810]  }
0x31: {  	v0 =	vadd.f32 v0, v6  }
0x32: {  	v4 =	vmul.f32 $1.000000010e-01, v4;
	v6 =	vmul.f32 $8.999999760e-01, v3  }
0x33: {  	v5 =	vmul.f32 $1.000000010e-01, v5;
	v0 =	vmax.f32 v0, $9.999999930e-09  }
0x34: {  	(erf) = vrcp.f32 v0;
	v0 =	vadd.f32 v4, v6;
	v4 =	vmul.f32 $8.999999760e-01, v8;
	v6 =	vld [tilespmem:s20+$0x30]  }
0x35: {  	v9 =	vld [tilespmem:s20+$0x630];
	v7 =	vmul.f32 $1.000000010e-01, v7;
	v10 =	vmul.f32 $8.999999760e-01, v2  }
0x36: {  	v4 =	vadd.f32 v5, v4  }
0x37: {  	v7 =	vadd.f32 v7, v10;
	v10 =	vld [tilespmem:s20+$0x600];
	v0 =	vmax.f32 v0, $9.999999930e-09  }
0x38: {  	v5 =	vld [tilespmem:s20+$0x0];
	(erf) = vrcp.f32 v0;
	v0 =	vmax.f32 v4, $9.999999930e-09  }
0x39: {  	(erf) = vrcp.f32 v0;
	v0 =	vmul.f32 $8.999999760e-01, v6  }
0x3a: {  	v12 =	vld [tilespmem:s20+$0x10];
	v9 =	vmul.f32 $1.000000010e-01, v9;
	v7 =	vmax.f32 v7, $9.999999930e-09  }
0x3b: {  	(erf) = vrcp.f32 v7;
	v7 =	vld [tilespmem:s20+$0x610]  }
0x3c: {  	v11 =	vld [tilespmem:s20+$0x20];
	v9 =	vadd.f32 v9, v0  }
0x3d: {  	v10 =	vmul.f32 $1.000000010e-01, v10;
	v4 =	vld [tilespmem:s20+$0x620];
	v13 =	vmul.f32 $8.999999760e-01, v5;
	v0 =	vpop (erf)  }
0x3e: {  	v9 =	vmul.f32 v0, v9  }
0x3f: {  	v10 =	vadd.f32 v10, v13  }
0x40: {  	v13 =	vmul.f32 $8.999999760e-01, v12;
	v7 =	vmul.f32 $1.000000010e-01, v7;
	v15 =	vsub.f32 $0.0e+00, v9  }
0x41: {  	v14 =	vmul.f32 $8.999999760e-01, v11  }
0x42: {  	v4 =	vmul.f32 $1.000000010e-01, v4;
	v16 =	vpop (erf);
	v7 =	vadd.f32 v7, v13;
	v13 =	vmul.f32 $1.442695020e+00, v15  }
0x43: {  	v10 =	vmul.f32 v16, v10;
	v22 =	vpop (erf)  }
0x44: {  	v4 =	vadd.f32 v4, v14;
	v15 =	vpop (erf);
	(erf) = vpow2.f32 v13  }
0x45: {  	v14 =	vsub.f32 $0.0e+00, v10;
	v13 =	vmul.f32 v15, v7  }
0x46: {  	v4 =	vmul.f32 v22, v4  }
0x47: {  	v7 =	vmul.f32 $1.442695020e+00, v14;
	v17 =	vsub.f32 $0.0e+00, v13  }
0x48: {  	v14 =	vsub.f32 $0.0e+00, v4  }
0x49: {  	(erf) = vpow2.f32 v7;
	v7 =	vmul.f32 $1.442695020e+00, v17  }
0x4a: {  	v14 =	vmul.f32 $1.442695020e+00, v14;
	_ =	sdelay $0x1  }
0x4b: {  	(erf) = vpow2.f32 v14  }
0x4c: {  	(erf) = vpow2.f32 v7;
	v7 =	vpop (erf)  }
0x4d: {  	v7 =	vadd.f32 $1.000000000e+00, v7;
	_ =	sdelay $0x2  }
0x4e: {  	v19 =	vld [tilespmem:s20+$0x410]  }
0x4f: {  	(erf) = vrcp.f32 v7;
	v7 =	vpop (erf)  }
0x50: {  	v18 =	vld [tilespmem:s20+$0x430];
	v7 =	vadd.f32 $1.000000000e+00, v7  }
0x51: {  	s19 =	simm.s32 $0x40;
	v20 =	vld [tilespmem:s20+$0x400]  }
0x52: {  	v26 =	vld [tilespmem:s19+$0x620];
	(erf) = vrcp.f32 v7  }
0x53: {  	v24 =	vcvt.s32.f32 v19;
	v19 =	vld [tilespmem:s19+$0x820]  }
0x54: {  	v27 =	vld [tilespmem:s19+$0x230];
	v1 =	vmul.f32 v9, v1  }
0x55: {  	v9 =	vmul.f32 v10, v3;
	v10 =	vmul.f32 v13, v2;
	v13 =	vld [tilespmem:s19+$0x830]  }
0x56: {  	v17 =	vld [tilespmem:s20+$0x420]  }
0x57: {  	v23 =	vld [tilespmem:s19+$0x30];
	v31 =	vcvt.s32.f32 v20;
	v25 =	vsub.f32 v6, v1;
	v6 =	vmul.f32 v4, v8  }
0x58: {  	v19 =	vmul.f32 $1.000000010e-01, v19;
	v8 =	vld [tilespmem:s19+$0x630];
	v2 =	vcvt.s32.f32 v18;
	v14 =	vpop (erf)  }
0x59: {  	v18 =	vmul.f32 $1.000000010e-01, v26;
	v26 =	vsub.f32 v11, v6;
	v11 =	vld [tilespmem:s19+$0x200];
	v14 =	vadd.f32 $1.000000000e+00, v14;
	v7 =	vpop (erf)  }
0x5a: {  	v6 =	vmul.f32 $8.999999760e-01, v27;
	v13 =	vmul.f32 $1.000000010e-01, v13;
	v21 =	vadd.f32 $1.000000000e+00, v7;
	v7 =	vld [tilespmem:s19+$0x20];
	v3 =	vpop (erf)  }
0x5b: {  	v29 =	vld [tilespmem:s19+$0x810];
	v4 =	vcvt.s32.f32 v17;
	(erf) = vrcp.f32 v14;
	v17 =	vsub.f32 $1.000000000e+00, v3;
	v28 =	vpop (erf)  }
0x5c: {  	v33 =	vld [tilespmem:s19+$0x220];
	v6 =	vadd.f32 v13, v6;
	(erf) = vrcp.f32 v21;
	v21 =	vsub.f32 $1.000000000e+00, v28  }
0x5d: {  	v5 =	vsub.f32 v5, v9;
	v8 =	vmul.f32 $1.000000010e-01, v8;
	v30 =	vmul.f32 v17, v3;
	v17 =	vld [tilespmem:s19+$0x800]  }
0x5e: {  	v35 =	vld [tilespmem:s19+$0x210];
	v37 =	vmul.f32 $8.999999760e-01, v11;
	v6 =	vmax.f32 v6, $9.999999930e-09;
	v13 =	vmul.f32 v21, v28  }
0x5f: {  	(erf) = vrcp.f32 v6;
	v6 =	vld [tilespmem:s19+$0x610];
	v9 =	vmul.f32 $8.999999760e-01, v7  }
0x60: {  	v25 =	vmul.f32 v30, v25;
	v5 =	vmul.f32 v13, v5  }
0x61: {  	v32 =	vmul.f32 v28, v28;
	v21 =	vmul.f32 $8.999999760e-01, v23  }
0x62: {  	v1 =	vld [tilespmem:s19+$0x10];
	v18 =	vadd.f32 v18, v9;
	v13 =	vmul.f32 $1.000000010e-01, v17;
	v39 =	vmul.f32 v5, v16  }
0x63: {  	v5 =	vsub.f32 v12, v10;
	v12 =	vmul.f32 $1.000000010e-01, v29;
	v16 =	vmul.f32 $8.999999760e-01, v35  }
0x64: {  	v6 =	vmul.f32 $1.000000010e-01, v6;
	v9 =	vpop (erf);
	v10 =	vadd.f32 v13, v37;
	v13 =	vmul.f32 $8.999999760e-01, v33  }
0x65: {  	v40 =	vmul.f32 v31, v32;
	v34 =	vpop (erf);
	v8 =	vadd.f32 v8, v21;
	v12 =	vadd.f32 v12, v16  }
0x66: {  	v30 =	vmul.f32 v9, v9;
	v36 =	vsub.f32 $1.000000000e+00, v34;
	v13 =	vadd.f32 v19, v13  }
0x67: {  	v17 =	vmul.f32 $8.999999760e-01, v1;
	v10 =	vmax.f32 v10, $9.999999930e-09;
	v12 =	vmax.f32 v12, $9.999999930e-09  }
0x68: {  	v38 =	vld [tilespmem:s19+$0x0];
	v21 =	vmul.f32 v36, v34;
	(erf) = vrcp.f32 v10;
	v13 =	vmax.f32 v13, $9.999999930e-09  }
0x69: {  	v14 =	vimm.f32 $0.0e+00;
	v54 =	vmul.f32 v39, v28;
	v10 =	vld [tilespmem:s19+$0x600];
	(erf) = vrcp.f32 v13  }
0x6a: {  	v60 =	vadd.f32 v31, v14;
	v5 =	vmul.f32 v21, v5;
	(erf) = vrcp.f32 v12;
	v12 =	vpop (erf)  }
0x6b: {  	v16 =	vadd.f32 v6, v17;
	v13 =	vmul.f32 v31, v54;
	v6 =	vmul.f32 v12, v8  }
0x6c: {  	v20 =	vadd.f32 v28, v14;
	v41 =	vmul.f32 v34, v34;
	v55 =	vmul.f32 v5, v15  }
0x6d: {  	v19 =	vmul.f32 $8.999999760e-01, v38;
	v5 =	vadd.f32 v13, v14;
	v13 =	vsub.f32 $0.0e+00, v6  }
0x6e: {  	v21 =	vmul.f32 v55, v34;
	v8 =	vmul.f32 $1.000000010e-01, v10;
	v10 =	vadd.f32 v34, v20  }
0x6f: {  	v61 =	vadd.f32 v24, v60;
	v34 =	vmul.f32 v24, v34;
	v6 =	vmul.f32 v6, v27  }
0x70: {  	v15 =	vmul.f32 v24, v21;
	v8 =	vadd.f32 v8, v19;
	v10 =	vadd.f32 v9, v10  }
0x71: {  	v29 =	vadd.f32 v39, v14;
	v27 =	vmul.f32 v31, v28;
	v19 =	vmul.f32 $1.442695020e+00, v13;
	v13 =	vpop (erf)  }
0x72: {  	v20 =	vadd.f32 v15, v5;
	v5 =	vsub.f32 v23, v6;
	v8 =	vmul.f32 v13, v8  }
0x73: {  	v15 =	vadd.f32 v3, v10;
	(erf) = vpow2.f32 v19;
	v19 =	vadd.f32 v27, v14;
	v6 =	vpop (erf)  }
0x74: {  	v10 =	vpop (erf);
	v27 =	vsub.f32 $0.0e+00, v8;
	v8 =	vmul.f32 v8, v11;
	v11 =	vmul.f32 v6, v18  }
0x75: {  	v28 =	vmul.f32 v4, v9;
	v19 =	vadd.f32 v34, v19;
	v16 =	vmul.f32 v10, v16  }
0x76: {  	v17 =	vadd.f32 v55, v29;
	v27 =	vmul.f32 $1.442695020e+00, v27;
	v56 =	vsub.f32 $0.0e+00, v11  }
0x77: {  	v29 =	vmul.f32 v24, v41;
	v19 =	vadd.f32 v28, v19;
	v57 =	vsub.f32 $0.0e+00, v16  }
0x78: {  	v28 =	vmul.f32 $1.442695020e+00, v56;
	(erf) = vpow2.f32 v27;
	v27 =	vadd.f32 v40, v14  }
0x79: {  	v58 =	vld [tilespmem:s19+$0x430];
	v62 =	vsub.f32 $1.000000000e+00, v9;
	v24 =	vmul.f32 v24, v55;
	v59 =	vmul.f32 $1.442695020e+00, v57  }
0x7a: {  	v31 =	vmul.f32 v31, v39;
	(erf) = vpow2.f32 v28  }
0x7b: {  	v32 =	vadd.f32 v32, v14;
	v34 =	vmul.f32 v62, v9;
	(erf) = vpow2.f32 v59  }
0x7c: {  	v23 =	vmul.f32 v2, v3;
	v18 =	vsub.f32 v38, v8;
	v8 =	vld [tilespmem:s19+$0x420];
	v28 =	vadd.f32 v29, v27;
	v27 =	vpop (erf)  }
0x7d: {  	v42 =	vld [tilespmem:s19+$0x410];
	v26 =	vmul.f32 v34, v26;
	v33 =	vmul.f32 v11, v33;
	v27 =	vadd.f32 $1.000000000e+00, v27  }
0x7e: {  	v16 =	vmul.f32 v16, v35;
	v11 =	vadd.f32 v23, v19;
	v19 =	vcvt.s32.f32 v58  }
0x7f: {  	v7 =	vsub.f32 v7, v33;
	v33 =	vadd.f32 v4, v61;
	(erf) = vrcp.f32 v27  }
0x80: {  	v31 =	vadd.f32 v31, v14;
	v22 =	vmul.f32 v26, v22;
	v26 =	vmul.f32 v4, v30  }
0x81: {  	v29 =	vadd.f32 v54, v14;
	v14 =	vadd.f32 v2, v33;
	v23 =	vcvt.s32.f32 v8;
	v63 =	vpop (erf)  }
0x82: {  	s20 =	simm.s32 $0x200;
	v8 =	vcvt.s32.f32 v42;
	v27 =	vadd.f32 v41, v32;
	v32 =	vadd.f32 $1.000000000e+00, v63  }
.LBB2_2:
0x83: {  	p0 =	sne.s32 s20, $0x700;
	v33 =	vld [tilespmem:s19+$0x400];
	s19 =	sshra.s32 s20, $0x2;
	s20 =	sadd.s32 $0x100, s20;
	v34 =	vpop (erf);
	v31 =	vadd.f32 v24, v31;
	v21 =	vadd.f32 v21, v29;
	v35 =	vmul.f32 v25, v0  }
0x84: {  	v29 =	vld [tilespmem:s19+$0x30];
	v25 =	vadd.f32 $1.000000000e+00, v34;
	(erf) = vrcp.f32 v32;
	v0 =	vpop (erf);
	v9 =	vmul.f32 v22, v9  }
0x85: {  	v34 =	vmul.f32 v4, v22;
	v24 =	vld [tilespmem:s19+$0x20];
	v32 =	vadd.f32 $1.000000000e+00, v0;
	v36 =	vmul.f32 v2, v35;
	v0 =	vmovc v12  }
0x86: {  	v12 =	vld [tilespmem:s19+$0x620];
	(erf) = vrcp.f32 v25;
	v25 =	vmul.f32 v4, v9;
	v9 =	vadd.f32 v9, v21;
	v4 =	vmovc v23  }
0x87: {  	v21 =	vadd.f32 v34, v31;
	v31 =	vmul.f32 v35, v3;
	v23 =	vld [tilespmem:s19+$0x230];
	(erf) = vrcp.f32 v32  }
0x88: {  	v17 =	vadd.f32 v22, v17;
	v34 =	vmul.f32 v3, v3;
	v32 =	vld [tilespmem:s19+$0x10];
	v20 =	vadd.f32 v25, v20;
	v3 =	vpop (erf)  }
0x89: {  	v22 =	vadd.f32 v36, v21;
	v21 =	vmul.f32 v2, v31;
	v37 =	vld [tilespmem:s19+$0x830];
	v38 =	vsub.f32 $1.000000000e+00, v3  }
0x8a: {  	v40 =	vmul.f32 v2, v34;
	v25 =	vadd.f32 v31, v9;
	v2 =	vmovc v19;
	v36 =	vmul.f32 $8.999999760e-01, v24;
	v39 =	vld [tilespmem:s19+$0x630]  }
0x8b: {  	v20 =	vadd.f32 v21, v20;
	v19 =	vld [tilespmem:s19+$0x210];
	v9 =	vmul.f32 $1.000000010e-01, v12;
	v12 =	vadd.f32 v26, v28  }
0x8c: {  	v31 =	vadd.f32 v30, v27;
	v26 =	vmul.f32 v38, v3;
	v21 =	vld [tilespmem:s19+$0x820];
	v28 =	vmul.f32 $8.999999760e-01, v23  }
0x8d: {  	v17 =	vadd.f32 v35, v17;
	v27 =	vcvt.s32.f32 v33;
	v38 =	vld [tilespmem:s19+$0x200];
	v36 =	vadd.f32 v9, v36;
	v33 =	vpop (erf)  }
0x8e: {  	v35 =	vld [tilespmem:s19+$0x800];
	v37 =	vmul.f32 $1.000000010e-01, v37;
	v43 =	vsub.f32 $1.000000000e+00, v33;
	v15 =	vadd.f32 v33, v15  }
0x8f: {  	v31 =	vadd.f32 v34, v31;
	v30 =	vmul.f32 v33, v33;
	v42 =	vld [tilespmem:s19+$0x810];
	v39 =	vmul.f32 $1.000000010e-01, v39;
	v9 =	vpop (erf)  }
0x90: {  	v40 =	vadd.f32 v40, v12;
	v34 =	vld [tilespmem:s19+$0x220];
	v28 =	vadd.f32 v37, v28;
	v37 =	vmul.f32 v43, v33;
	v41 =	vpop (erf)  }
0x91: {  	v12 =	vmul.f32 $1.000000010e-01, v21;
	v21 =	vmul.f32 $8.999999760e-01, v29;
	v43 =	vsub.f32 $1.000000000e+00, v41  }
0x92: {  	v44 =	vmul.f32 $8.999999760e-01, v38;
	v28 =	vmax.f32 v28, $9.999999930e-09;
	v18 =	vmul.f32 v37, v18  }
0x93: {  	v37 =	vld [tilespmem:s19+$0x0];
	v35 =	vmul.f32 $1.000000010e-01, v35;
	v21 =	vadd.f32 v39, v21;
	(erf) = vrcp.f32 v28  }
0x94: {  	v39 =	vmul.f32 $8.999999760e-01, v32;
	v28 =	vld [tilespmem:s19+$0x610];
	v45 =	vmul.f32 v18, v13;
	v13 =	vsub.f32 v1, v16;
	v1 =	vmovc v32  }
0x95: {  	v18 =	vmul.f32 $1.000000010e-01, v42;
	v16 =	vadd.f32 v35, v44;
	v32 =	vmul.f32 $8.999999760e-01, v34  }
0x96: {  	v42 =	vmul.f32 v43, v41;
	v35 =	vmul.f32 $8.999999760e-01, v19;
	v17 =	vadd.f32 v45, v17  }
0x97: {  	v16 =	vmax.f32 v16, $9.999999930e-09;
	v12 =	vadd.f32 v12, v32;
	v32 =	vmul.f32 v45, v33  }
0x98: {  	v18 =	vadd.f32 v18, v35;
	v43 =	vmul.f32 $8.999999760e-01, v37;
	(erf) = vrcp.f32 v16  }
0x99: {  	v13 =	vmul.f32 v42, v13;
	v16 =	vld [tilespmem:s19+$0x600];
	v28 =	vmul.f32 $1.000000010e-01, v28;
	v12 =	vmax.f32 v12, $9.999999930e-09  }
0x9a: {  	v18 =	vmax.f32 v18, $9.999999930e-09;
	v35 =	vmul.f32 v27, v32;
	(erf) = vrcp.f32 v12  }
0x9b: {  	v28 =	vadd.f32 v28, v39;
	(erf) = vrcp.f32 v18;
	v39 =	vmul.f32 v13, v10  }
0x9c: {  	v42 =	vmul.f32 v41, v41;
	v10 =	vadd.f32 v35, v20;
	v35 =	vmul.f32 v27, v30;
	v12 =	vpop (erf)  }
0x9d: {  	v13 =	vmul.f32 v12, v21;
	v21 =	vmul.f32 v39, v41;
	v17 =	vadd.f32 v39, v17  }
0x9e: {  	v15 =	vadd.f32 v41, v15;
	v44 =	vmul.f32 v8, v42;
	v16 =	vmul.f32 $1.000000010e-01, v16  }
0x9f: {  	v41 =	vmul.f32 v8, v41;
	v18 =	vsub.f32 $0.0e+00, v13;
	v20 =	vmul.f32 v8, v21  }
0xa0: {  	v15 =	vadd.f32 v9, v15;
	v23 =	vmul.f32 v13, v23;
	v16 =	vadd.f32 v16, v43  }
0xa1: {  	v33 =	vmul.f32 v27, v33;
	v18 =	vmul.f32 $1.442695020e+00, v18;
	v13 =	vpop (erf);
	v20 =	vadd.f32 v20, v10  }
0xa2: {  	v15 =	vadd.f32 v3, v15;
	v43 =	vsub.f32 v29, v23;
	v47 =	vmul.f32 v13, v16  }
0xa3: {  	v11 =	vadd.f32 v33, v11;
	v23 =	vmul.f32 v2, v3;
	v46 =	vpop (erf);
	(erf) = vpow2.f32 v18  }
0xa4: {  	v16 =	vsub.f32 $0.0e+00, v47;
	v18 =	vmul.f32 v47, v38;
	v29 =	vmul.f32 v46, v36;
	v10 =	vpop (erf)  }
0xa5: {  	v33 =	vmul.f32 v4, v9;
	v11 =	vadd.f32 v41, v11;
	v28 =	vmul.f32 v10, v28  }
0xa6: {  	v36 =	vmul.f32 $1.442695020e+00, v16;
	v18 =	vsub.f32 v37, v18;
	v37 =	vld [tilespmem:s19+$0x420];
	v38 =	vsub.f32 $0.0e+00, v29  }
0xa7: {  	v11 =	vadd.f32 v33, v11;
	v41 =	vsub.f32 $0.0e+00, v28;
	v16 =	vmul.f32 v28, v19;
	v19 =	vld [tilespmem:s19+$0x430]  }
0xa8: {  	v35 =	vadd.f32 v35, v40;
	v33 =	vld [tilespmem:s19+$0x410];
	v28 =	vmul.f32 $1.442695020e+00, v38;
	(erf) = vpow2.f32 v36  }
0xa9: {  	v11 =	vadd.f32 v23, v11;
	v34 =	vmul.f32 v29, v34;
	v36 =	vmul.f32 $1.442695020e+00, v41  }
0xaa: {  	v14 =	vadd.f32 v27, v14;
	(erf) = vpow2.f32 v28;
	v28 =	vadd.f32 v44, v35  }
0xab: {  	v24 =	vsub.f32 v24, v34;
	v23 =	vcvt.s32.f32 v37;
	(erf) = vpow2.f32 v36  }
0xac: {  	v14 =	vadd.f32 v8, v14;
	v34 =	vsub.f32 $1.000000000e+00, v9;
	v19 =	vcvt.s32.f32 v19;
	v29 =	vpop (erf)  }
0xad: {  	v33 =	vcvt.s32.f32 v33;
	v35 =	vadd.f32 $1.000000000e+00, v29;
	v29 =	vadd.f32 v32, v25  }
.Ltmp0:
0xae: {  	v30 =	vadd.f32 v30, v31;
	v31 =	vmul.f32 v34, v9;
	v25 =	vmul.f32 v26, v5;
	v5 =	vmovc v43;
	(pc) =	sbr.rel @p0 .LBB2_2-.Ltmp0, $4  }
0xaf: {  	v14 =	vadd.f32 v4, v14;
	v26 =	vmul.f32 v27, v45;
	(erf) = vrcp.f32 v35  }
0xb0: {  	v34 =	vmul.f32 v31, v7;
	v7 =	vmovc v24;
	v27 =	vadd.f32 v42, v30;
	v30 =	vmul.f32 v9, v9  }
0xb1: {  	v14 =	vadd.f32 v2, v14;
	v24 =	vmul.f32 v8, v39;
	v31 =	vadd.f32 v26, v22;
	v32 =	vpop (erf)  }
0xb2: {  	v22 =	vmul.f32 v34, v6;
	v26 =	vmul.f32 v4, v30;
	v6 =	vmovc v46;
	v8 =	vmovc v33;
	v32 =	vadd.f32 $1.000000000e+00, v32  }
0xb3: {  	_ = 	snop  }
0xb4: {  	v33 =	vpop (erf);
	v21 =	vadd.f32 v21, v29;
	v0 =	vmul.f32 v25, v0;
	(erf) = vrcp.f32 v32  }
0xb5: {  	v24 =	vadd.f32 v24, v31;
	v57 =	vmul.f32 v3, v3;
	v49 =	vadd.f32 $1.000000000e+00, v33;
	v50 =	vpop (erf)  }
0xb6: {  	v27 =	vadd.f32 v30, v27;
	v9 =	vmul.f32 v22, v9;
	v33 =	vadd.f32 $1.000000000e+00, v50  }
0xb7: {  	v1 =	vsub.f32 v1, v16;
	v51 =	vmul.f32 v4, v22;
	(erf) = vrcp.f32 v49  }
0xb8: {  	v17 =	vadd.f32 v22, v17;
	v26 =	vadd.f32 v26, v28;
	(erf) = vrcp.f32 v33  }
0xb9: {  	v55 =	vmul.f32 v0, v3;
	v61 =	vmul.f32 v2, v57;
	v3 =	vadd.f32 v57, v27;
	v29 =	vpop (erf)  }
0xba: {  	v53 =	vmul.f32 v4, v9;
	v9 =	vadd.f32 v9, v21;
	v59 =	vsub.f32 $1.000000000e+00, v29  }
0xbb: {  	v52 =	vmul.f32 v2, v0;
	v24 =	vadd.f32 v51, v24;
	v0 =	vadd.f32 v0, v17  }
0xbc: {  	v60 =	vmul.f32 v2, v55;
	v2 =	vadd.f32 v61, v26;
	v22 =	vmul.f32 v59, v29  }
0xbd: {  	v4 =	vadd.f32 v53, v20;
	v24 =	vadd.f32 v52, v24;
	v57 =	vmul.f32 v29, v29;
	v54 =	vpop (erf)  }
0xbe: {  	v58 =	vld [tilespmem:s19+$0x400];
	v44 =	vmul.f32 v19, v29;
	v5 =	vmul.f32 v22, v5;
	v56 =	vsub.f32 $1.000000000e+00, v54  }
0xbf: {  	v9 =	vadd.f32 v55, v9;
	v59 =	vmul.f32 v19, v57;
	v33 =	vmul.f32 v54, v54  }
0xc0: {  	v15 =	vadd.f32 v54, v15;
	v31 =	vpop (erf);
	v5 =	vmul.f32 v5, v12;
	v32 =	vmul.f32 v56, v54  }
0xc1: {  	v62 =	vpop (erf);
	v41 =	vmul.f32 v23, v31;
	v42 =	vsub.f32 $1.000000000e+00, v31;
	v51 =	vmul.f32 v31, v31  }
0xc2: {  	v3 =	vadd.f32 v33, v3;
	v38 =	vmul.f32 v8, v62;
	v39 =	vmul.f32 v62, v62  }
0xc3: {  	v63 =	vsub.f32 $1.000000000e+00, v62;
	v18 =	vmul.f32 v32, v18;
	v32 =	vcvt.s32.f32 v58  }
0xc4: {  	v15 =	vadd.f32 v62, v15;
	v45 =	vmul.f32 v42, v31;
	v55 =	vmul.f32 v23, v51  }
0xc5: {  	v4 =	vadd.f32 v60, v4;
	v30 =	vmul.f32 v63, v62;
	v46 =	vmul.f32 v8, v39  }
0xc6: {  	v3 =	vadd.f32 v39, v3;
	v61 =	vadd.f32 v31, v15;
	v13 =	vmul.f32 v18, v13  }
0xc7: {  	v35 =	vmul.f32 v32, v54;
	v37 =	vmul.f32 v32, v33;
	v47 =	vadd.f32 v32, v14  }
0xc8: {  	v7 =	vmul.f32 v45, v7;
	v1 =	vmul.f32 v30, v1;
	v3 =	vadd.f32 v51, v3  }
0xc9: {  	v34 =	vmul.f32 v13, v54;
	v0 =	vadd.f32 v13, v0;
	v11 =	vadd.f32 v35, v11  }
0xca: {  	v2 =	vadd.f32 v37, v2;
	v13 =	vmul.f32 v32, v13;
	v6 =	vmul.f32 v7, v6  }
0xcb: {  	v1 =	vmul.f32 v1, v10;
	v10 =	vadd.f32 v8, v47;
	v63 =	vadd.f32 v57, v3  }
0xcc: {  	v54 =	vmul.f32 v5, v29;
	v11 =	vadd.f32 v38, v11;
	v2 =	vadd.f32 v46, v2  }
0xcd: {  	v36 =	vmul.f32 v32, v34;
	v9 =	vadd.f32 v34, v9;
	v48 =	vadd.f32 v13, v24  }
0xce: {  	v40 =	vmul.f32 v1, v62;
	v0 =	vadd.f32 v1, v0;
	v49 =	vadd.f32 v23, v10  }
0xcf: {  	v1 =	vmul.f32 v8, v1;
	v62 =	vadd.f32 v29, v61;
	v4 =	vadd.f32 v36, v4  }
0xd0: {  	v50 =	vmul.f32 v6, v31;
	v11 =	vadd.f32 v41, v11;
	v2 =	vadd.f32 v55, v2  }
0xd1: {  	v43 =	vmul.f32 v8, v40;
	v1 =	vadd.f32 v1, v48;
	v8 =	vadd.f32 v19, v49  }
0xd2: {  	v52 =	vmul.f32 v23, v6;
	[tilespmem:$0xA80] =	vst v63;
	v9 =	vadd.f32 v40, v9;
	v0 =	vadd.f32 v6, v0  }
0xd3: {  	v53 =	vmul.f32 v23, v50;
	[tilespmem:$0xA70] =	vst v62;
	v11 =	vadd.f32 v44, v11;
	v4 =	vadd.f32 v43, v4  }
0xd4: {  	v56 =	vmul.f32 v19, v5;
	v2 =	vadd.f32 v59, v2;
	v1 =	vadd.f32 v52, v1;
	[tilespmem:$0xA00] =	vst v8  }
0xd5: {  	v58 =	vmul.f32 v19, v54;
	v0 =	vadd.f32 v5, v0;
	[tilespmem:$0xA30] =	vst v11;
	v4 =	vadd.f32 v53, v4  }
0xd6: {  	v60 =	vadd.f32 v50, v9;
	[tilespmem:$0xA40] =	vst v2;
	v1 =	vadd.f32 v56, v1  }
0xd7: {  	[tilespmem:$0xA50] =	vst v0;
	v4 =	vadd.f32 v58, v4  }
0xd8: {  	s18 =	sadd.s32 $0x1, s18;
	[tilespmem:$0xA10] =	vst v1;
	v1 =	vadd.f32 v54, v60  }
0xd9: {  	p0 =	sne.s32 s18, s9;
	[tilespmem:$0xA20] =	vst v4  }
.Ltmp1:
0xda: {  	[tilespmem:$0xA60] =	vst v1;
	(pc) =	sbr.rel @p0 .LBB2_1-.Ltmp1, $4  }
0xdb: {  	[hbm4b:s8+s15] =	stream.strided.scatter [tilespmem:s16], [sflag:$0x2], $0x100, s11, s15, $0x38;
	[tilespmem:$0xB00] =	vst v63  }
0xdc: {  	_ =	swait.ge [sflag:s17], $0x100  }
0xdd: {  	[sflag:s17] =	ssyncset.done $0x0  }
0xde: {  	[sflag:s17] =	ssyncadd.s32 $0xFFFFFF00  }
0xdf: {  	_ =	sfence.sel $0x180000  }
0xe0: {  	[bflag:$0x0] =	sbarrier.arrive $0xFFFF  }
0xe1: {  	p0 =	sne.s32 s1, $0x0;
	_ =	strace $0x90000047  }
0xe2: {  	s0 =	sadd.s32 @!p0 $0x100000, s0;
	[bflag:$0x2] =	sbarrier.arrive $0xFFFF  }
0xe3: {  	[sflag:s0] =	ssyncadd.tile.s32 @!p0 $0x1;
	_ =	shalt  }
.Lfunc_end2:
_tile_overlayer_lowered:
.L_overlay_start_2:
0xe4: {  	(tag) =	ssettag $0x2  }
0xe5: {  	s0 =	rddreg [dreg:$0x0];
	s2 =	stileid.u32  }
0xe6: {  	s1 =	rddreg [dreg:$0x1];
	p0 =	sne.s32 s2, $0x0  }
0xe7: {  	s3 =	rddreg [dreg:$0x2];
	[bflag:$0x3] =	sbarrier.arrive $0xFFFF;
	s2 =	simm.s32 @!p0 $0x1C02  }
0xe8: {  	[timem:s3], [sflag:s2] =	dma.local @!p0 [hbm:s0], s1  }
0xe9: {  	s0 =	simm.s32 @!p0 $0x2  }
0xea: {  	_ =	swait.ge @!p0 [sflag:s0], s1  }
0xeb: {  	s1 =	ssub.s32 @!p0 $0x0, s1;
	[sflag:s0] =	ssyncset.done @!p0 $0x0  }
0xec: {  	[sflag:s0] =	ssyncadd.s32 @!p0 s1  }
0xed: {  	[bflag:$0x3] =	sbarrier.arrive $0xFFFF  }
0xee: {  	_ =	shalt  }

</sc_bundles>
